<compile_context>
chip_gen: v7x
topology: tpu7x:2x2x1
jax: 0.10.2.dev20260603
libtpu: 0.0.44.dev20260713+nightly
codegen_flags: <defaults>
</compile_context>

<pallas_src>
import jax
import jax.numpy as jnp
from jax import lax
from jax.experimental import pallas as pl
from jax.experimental.pallas import tpu as pltpu
from jax.experimental.pallas import tpu_sc as plsc

NNZ = 13421772
NUM_SEG = 8 * 4096

NW = 32
BUF = 8192
NBUF_MAIN = 51
CHUNK = NBUF_MAIN * BUF
NNZ_MAIN = NW * CHUNK
TAIL_PAD = NW * BUF
NVEC = BUF // 16
IDS_BUF = BUF + 8


def _sc_segsum(vals_hbm, ids_hbm, tvals_hbm, tids_hbm, part_hbm,
               vb0, vb1, ib0, ib1, acc, sem0, sem1):
    wid = lax.axis_index("c") * 16 + lax.axis_index("s")
    base = wid * CHUNK

    def start_dma(g, vb, ib, sem):
        @pl.when(g < NBUF_MAIN)
        def _():
            off = base + g * BUF
            pltpu.async_copy(vals_hbm.at[pl.ds(off, BUF)], vb, sem)
            pltpu.async_copy(ids_hbm.at[pl.ds(off, BUF)],
                             ib.at[pl.ds(0, BUF)], sem)

        @pl.when(g == NBUF_MAIN)
        def _():
            off = wid * BUF
            pltpu.async_copy(tvals_hbm.at[pl.ds(off, BUF)], vb, sem)
            pltpu.async_copy(tids_hbm.at[pl.ds(off, BUF)],
                             ib.at[pl.ds(0, BUF)], sem)

    def drain(vb, ib, sem):
        pltpu.make_async_copy(vals_hbm.at[pl.ds(0, BUF)], vb, sem).wait()
        pltpu.make_async_copy(ids_hbm.at[pl.ds(0, BUF)],
                              ib.at[pl.ds(0, BUF)], sem).wait()

    def compute(vb, ib):
        lane = lax.iota(jnp.int32, 16)
        last_l = lane == 15
        shift_p = jnp.maximum(lane - 1, 0)
        shift_n = jnp.minimum(lane + 1, 15)

        @plsc.parallel_loop(0, NVEC // 2, unroll=4)
        def _(jj):
            for u in range(2):
                off = (jj * 2 + u) * 16
                v = vb[pl.ds(off, 16)]
                sid = ib[pl.ds(off, 16)]
                if u == 0:
                    sidn = ib[pl.ds(off + 1, 16)]
                else:
                    sidn = jnp.take_along_axis(
                        sid, shift_n, axis=0, mode="promise_in_bounds")
                sidp = jnp.take_along_axis(
                    sid, shift_p, axis=0, mode="promise_in_bounds")
                c = jnp.cumsum(v)
                start_m = sid != sidp
                end_m = (sid != sidn) | last_l
                plsc.addupdate_scatter(acc, [sid], c, mask=end_m)
                plsc.addupdate_scatter(acc, [sid], v - c, mask=start_m)

    zero = jnp.zeros((16,), jnp.float32)

    @plsc.parallel_loop(0, NUM_SEG // 16, unroll=8)
    def _(i):
        acc[pl.ds(i * 16, 16)] = zero

    start_dma(0, vb0, ib0, sem0)

    def pair(p, carry):
        g1 = 2 * p + 1
        drain(vb0, ib0, sem0)
        start_dma(g1, vb1, ib1, sem1)
        compute(vb0, ib0)
        drain(vb1, ib1, sem1)

        @pl.when(g1 + 1 < NBUF_MAIN + 1)
        def _():
            start_dma(g1 + 1, vb0, ib0, sem0)

        compute(vb1, ib1)
        return carry

    lax.fori_loop(0, (NBUF_MAIN + 1) // 2, pair, 0)

    pltpu.sync_copy(acc, part_hbm.at[wid])


def _tc_reduce(x_ref, o_ref):
    o_ref[...] = jnp.sum(x_ref[...], axis=0)


@jax.jit
def kernel(values, segment_ids):
    tail_v = jnp.pad(values[NNZ_MAIN:], (0, TAIL_PAD - (NNZ - NNZ_MAIN)))
    tail_i = jnp.pad(segment_ids[NNZ_MAIN:], (0, TAIL_PAD - (NNZ - NNZ_MAIN)))

    mesh = plsc.VectorSubcoreMesh(core_axis_name="c", subcore_axis_name="s")
    sc = pl.kernel(
        _sc_segsum,
        mesh=mesh,
        compiler_params=pltpu.CompilerParams(needs_layout_passes=False),
        out_type=jax.ShapeDtypeStruct((NW, NUM_SEG), jnp.float32),
        scratch_types=[
            pltpu.VMEM((BUF,), jnp.float32),
            pltpu.VMEM((BUF,), jnp.float32),
            pltpu.VMEM((IDS_BUF,), jnp.int32),
            pltpu.VMEM((IDS_BUF,), jnp.int32),
            pltpu.VMEM((NUM_SEG,), jnp.float32),
            pltpu.SemaphoreType.DMA,
            pltpu.SemaphoreType.DMA,
        ],
    )
    part = sc(values, segment_ids, tail_v, tail_i)

    node = pl.pallas_call(
        _tc_reduce,
        out_shape=jax.ShapeDtypeStruct((NUM_SEG,), jnp.float32),
    )(part)
    return node.reshape(-1, 4096, 1)

# --- scband reference (transcript-rebuilt; emitter-appended) ---
"""Pipeline reference for scband-node-degrees-24979529793659 (READ-ONLY COPY).

The authoritative reference and input builder live on the scoring server;
editing this copy changes nothing except your own understanding.
"""

import jax, jax.numpy as jnp
import numpy as np

NNZ = 13421772
B = 8
N = 4096  # in_node_dim


def setup_inputs(seed: int = 0) -> dict:
    key = jax.random.key(seed)
    k1, k2 = jax.random.split(key)
    values = jax.random.normal(k1, (NNZ,), dtype=jnp.float32)
    segment_ids = jnp.sort(jax.random.randint(k2, (NNZ,), 0, B * N, dtype=jnp.int32))
    return {"values": values, "segment_ids": segment_ids}


def reference(values, segment_ids):
    # tf.sparse.reduce_sum(inputs, axis=-1) on a [B, N, N] SparseTensor:
    # sum nonzero values grouped by flattened (batch, row) index.
    node_degrees = jax.ops.segment_sum(values, segment_ids, num_segments=B * N)
    # tf.reshape(node_degrees, [-1, in_node_dim, 1])
    return node_degrees.reshape(-1, N, 1)

if __name__ == "__main__":
    import jax
    _d = setup_inputs()
    print(jax.jit(kernel)(*tuple(_d.values())))

</pallas_src>

<mosaic_0001>
#map = affine_map<(d0, d1) -> (0)>
#map1 = affine_map<(d0, d1) -> (0, 0)>
module attributes {stable_mosaic.version = 14 : i64} {
  func.func @_sc_segsum(%arg0: i32, %arg1: i32, %arg2: memref<13421772xf32, #tpu.memory_space<hbm>>, %arg3: memref<13421772xi32, #tpu.memory_space<hbm>>, %arg4: memref<262144xf32, #tpu.memory_space<hbm>>, %arg5: memref<262144xi32, #tpu.memory_space<hbm>>, %arg6: memref<32x32768xf32, #tpu.memory_space<hbm>>, %arg7: memref<8192xf32, #tpu.memory_space<vmem>>, %arg8: memref<8192xf32, #tpu.memory_space<vmem>>, %arg9: memref<8200xi32, #tpu.memory_space<vmem>>, %arg10: memref<8200xi32, #tpu.memory_space<vmem>>, %arg11: memref<32768xf32, #tpu.memory_space<vmem>>, %arg12: memref<!tpu.dma_semaphore, #tpu.memory_space<semaphore_mem>>, %arg13: memref<!tpu.dma_semaphore, #tpu.memory_space<semaphore_mem>>) attributes {dimension_semantics = [#tpu.dimension_semantics<core_parallel>, #tpu.dimension_semantics<subcore_parallel>], iteration_bounds = array<i64: 2, 16>, scalar_prefetch = 0 : i64, scratch_operands = 7 : i64, tpu.core_type = #tpu.core_type<sc_vector_subcore>, window_params = [{transform_indices = #map}, {transform_indices = #map}, {transform_indices = #map}, {transform_indices = #map}, {transform_indices = #map1}]} {
    %mul3A = arith.constant 16 : i32
    %mul3A_0 = arith.muli %arg0, %mul3A : i32
    %add3A = arith.addi %mul3A_0, %arg1 : i32
    %mul3A_1 = arith.constant 417792 : i32
    %mul3A_2 = arith.muli %add3A, %mul3A_1 : i32
    %broadcast_in_dim3A = arith.constant 0.000000e+00 : f32
    %broadcast_in_dim3A_3 = vector.broadcast %broadcast_in_dim3A : f32 to vector<16xf32>
    %parallel_loop3A = arith.constant 0 : i32
    %parallel_loop3A_4 = arith.constant 2048 : i32
    %parallel_loop3A_5 = arith.constant 1 : i32
    scf.for %parallel_loop3A_20 = %parallel_loop3A to %parallel_loop3A_4 step %parallel_loop3A_5  : i32 {
      %parallel_loop3A_21 = arith.constant 16 : i32
      %parallel_loop3A_22 = arith.muli %parallel_loop3A_20, %parallel_loop3A_21 : i32
      %parallel_loop3A_23 = arith.index_cast %parallel_loop3A_22 : i32 to index
      %parallel_loop3A_24 = tpu.vector_load %arg11[%parallel_loop3A_23] {strides = array<i32>} : memref<32768xf32, #tpu.memory_space<vmem>>, vector<16xf32>,
      tpu.vector_store %arg11[%parallel_loop3A_23], %broadcast_in_dim3A_3 {strides = array<i32>} : memref<32768xf32, #tpu.memory_space<vmem>>, vector<16xf32>,
    } {sc.loop_unroll_factor = 8 : i64, sc.parallel_access}
    %add3A_6 = arith.constant 0 : i32
    %add3A_7 = arith.addi %mul3A_2, %add3A_6 : i32
    %dma_start3A = tpu.memref_slice %arg2[%add3A_7] : memref<13421772xf32, #tpu.memory_space<hbm>> -> memref<8192xf32, #tpu.memory_space<hbm>>
    %dma_start3A_8 = tpu.memref_slice %arg2[%add3A_7] : memref<13421772xf32, #tpu.memory_space<hbm>> -> memref<8192xf32, #tpu.memory_space<hbm>>
    tpu.enqueue_dma source(%dma_start3A_8 : memref<8192xf32, #tpu.memory_space<hbm>>) target(%arg7 : memref<8192xf32, #tpu.memory_space<vmem>>) target_semaphore(%arg12 : memref<!tpu.dma_semaphore, #tpu.memory_space<semaphore_mem>>)
    %dma_start3A_9 = arith.constant 0 : i32
    %dma_start3A_10 = tpu.memref_slice %arg9[%dma_start3A_9] : memref<8200xi32, #tpu.memory_space<vmem>> -> memref<8192xi32, #tpu.memory_space<vmem>>
    %dma_start3A_11 = tpu.memref_slice %arg3[%add3A_7] : memref<13421772xi32, #tpu.memory_space<hbm>> -> memref<8192xi32, #tpu.memory_space<hbm>>
    %dma_start3A_12 = arith.constant 0 : i32
    %dma_start3A_13 = tpu.memref_slice %arg9[%dma_start3A_12] : memref<8200xi32, #tpu.memory_space<vmem>> -> memref<8192xi32, #tpu.memory_space<vmem>>
    %dma_start3A_14 = tpu.memref_slice %arg3[%add3A_7] : memref<13421772xi32, #tpu.memory_space<hbm>> -> memref<8192xi32, #tpu.memory_space<hbm>>
    tpu.enqueue_dma source(%dma_start3A_14 : memref<8192xi32, #tpu.memory_space<hbm>>) target(%dma_start3A_13 : memref<8192xi32, #tpu.memory_space<vmem>>) target_semaphore(%arg12 : memref<!tpu.dma_semaphore, #tpu.memory_space<semaphore_mem>>)
    %scan3A = arith.constant 0 : i32
    %scan3A_15 = arith.constant 0 : i32
    %scan3A_16 = arith.constant 26 : i32
    %scan3A_17 = arith.addi %scan3A_15, %scan3A_16 : i32
    %scan3A_18 = arith.constant 1 : i32
    scf.for %scan3A_20 = %scan3A_15 to %scan3A_17 step %scan3A_18  : i32 {
      %mul3A_21 = arith.constant 2 : i32
      %mul3A_22 = arith.muli %mul3A_21, %scan3A_20 : i32
      %add3A_23 = arith.constant 1 : i32
      %add3A_24 = arith.addi %mul3A_22, %add3A_23 : i32
      %dma_wait3A = arith.constant 0 : i32
      %dma_wait3A_25 = tpu.memref_slice %arg2[%dma_wait3A] : memref<13421772xf32, #tpu.memory_space<hbm>> -> memref<8192xf32, #tpu.memory_space<hbm>>
      %dma_wait3A_26 = arith.constant 0 : i32
      %dma_wait3A_27 = tpu.memref_slice %arg2[%dma_wait3A_26] : memref<13421772xf32, #tpu.memory_space<hbm>> -> memref<8192xf32, #tpu.memory_space<hbm>>
      tpu.wait_dma2 semaphore(%arg12 : memref<!tpu.dma_semaphore, #tpu.memory_space<semaphore_mem>>) src(%dma_wait3A_27 : memref<8192xf32, #tpu.memory_space<hbm>>) dst(%arg7 : memref<8192xf32, #tpu.memory_space<vmem>>)
      %dma_wait3A_28 = arith.constant 0 : i32
      %dma_wait3A_29 = tpu.memref_slice %arg9[%dma_wait3A_28] : memref<8200xi32, #tpu.memory_space<vmem>> -> memref<8192xi32, #tpu.memory_space<vmem>>
      %dma_wait3A_30 = arith.constant 0 : i32
      %dma_wait3A_31 = tpu.memref_slice %arg3[%dma_wait3A_30] : memref<13421772xi32, #tpu.memory_space<hbm>> -> memref<8192xi32, #tpu.memory_space<hbm>>
      %dma_wait3A_32 = arith.constant 0 : i32
      %dma_wait3A_33 = tpu.memref_slice %arg9[%dma_wait3A_32] : memref<8200xi32, #tpu.memory_space<vmem>> -> memref<8192xi32, #tpu.memory_space<vmem>>
      %dma_wait3A_34 = arith.constant 0 : i32
      %dma_wait3A_35 = tpu.memref_slice %arg3[%dma_wait3A_34] : memref<13421772xi32, #tpu.memory_space<hbm>> -> memref<8192xi32, #tpu.memory_space<hbm>>
      tpu.wait_dma2 semaphore(%arg12 : memref<!tpu.dma_semaphore, #tpu.memory_space<semaphore_mem>>) src(%dma_wait3A_35 : memref<8192xi32, #tpu.memory_space<hbm>>) dst(%dma_wait3A_33 : memref<8192xi32, #tpu.memory_space<vmem>>)
      %lt3A = arith.constant 51 : i32
      %lt3A_36 = arith.cmpi slt, %add3A_24, %lt3A : i32
      %convert_element_type3A = arith.extui %lt3A_36 : i1 to i32
      %cond3A = arith.constant 0 : i32
      %cond3A_37 = arith.cmpi ne, %convert_element_type3A, %cond3A : i32
      scf.if %cond3A_37 {
        %mul3A_95 = arith.constant 8192 : i32
        %mul3A_96 = arith.muli %add3A_24, %mul3A_95 : i32
        %add3A_97 = arith.addi %mul3A_2, %mul3A_96 : i32
        %dma_start3A_98 = tpu.memref_slice %arg2[%add3A_97] : memref<13421772xf32, #tpu.memory_space<hbm>> -> memref<8192xf32, #tpu.memory_space<hbm>>
        %dma_start3A_99 = tpu.memref_slice %arg2[%add3A_97] : memref<13421772xf32, #tpu.memory_space<hbm>> -> memref<8192xf32, #tpu.memory_space<hbm>>
        tpu.enqueue_dma source(%dma_start3A_99 : memref<8192xf32, #tpu.memory_space<hbm>>) target(%arg8 : memref<8192xf32, #tpu.memory_space<vmem>>) target_semaphore(%arg13 : memref<!tpu.dma_semaphore, #tpu.memory_space<semaphore_mem>>)
        %dma_start3A_100 = arith.constant 0 : i32
        %dma_start3A_101 = tpu.memref_slice %arg10[%dma_start3A_100] : memref<8200xi32, #tpu.memory_space<vmem>> -> memref<8192xi32, #tpu.memory_space<vmem>>
        %dma_start3A_102 = tpu.memref_slice %arg3[%add3A_97] : memref<13421772xi32, #tpu.memory_space<hbm>> -> memref<8192xi32, #tpu.memory_space<hbm>>
        %dma_start3A_103 = arith.constant 0 : i32
        %dma_start3A_104 = tpu.memref_slice %arg10[%dma_start3A_103] : memref<8200xi32, #tpu.memory_space<vmem>> -> memref<8192xi32, #tpu.memory_space<vmem>>
        %dma_start3A_105 = tpu.memref_slice %arg3[%add3A_97] : memref<13421772xi32, #tpu.memory_space<hbm>> -> memref<8192xi32, #tpu.memory_space<hbm>>
        tpu.enqueue_dma source(%dma_start3A_105 : memref<8192xi32, #tpu.memory_space<hbm>>) target(%dma_start3A_104 : memref<8192xi32, #tpu.memory_space<vmem>>) target_semaphore(%arg13 : memref<!tpu.dma_semaphore, #tpu.memory_space<semaphore_mem>>)
      } else {
      }
      %eq3A = arith.constant 51 : i32
      %eq3A_38 = arith.cmpi eq, %add3A_24, %eq3A : i32
      %convert_element_type3A_39 = arith.extui %eq3A_38 : i1 to i32
      %cond3A_40 = arith.constant 0 : i32
      %cond3A_41 = arith.cmpi ne, %convert_element_type3A_39, %cond3A_40 : i32
      scf.if %cond3A_41 {
        %mul3A_95 = arith.constant 8192 : i32
        %mul3A_96 = arith.muli %add3A, %mul3A_95 : i32
        %dma_start3A_97 = tpu.memref_slice %arg4[%mul3A_96] : memref<262144xf32, #tpu.memory_space<hbm>> -> memref<8192xf32, #tpu.memory_space<hbm>>
        %dma_start3A_98 = tpu.memref_slice %arg4[%mul3A_96] : memref<262144xf32, #tpu.memory_space<hbm>> -> memref<8192xf32, #tpu.memory_space<hbm>>
        tpu.enqueue_dma source(%dma_start3A_98 : memref<8192xf32, #tpu.memory_space<hbm>>) target(%arg8 : memref<8192xf32, #tpu.memory_space<vmem>>) target_semaphore(%arg13 : memref<!tpu.dma_semaphore, #tpu.memory_space<semaphore_mem>>)
        %dma_start3A_99 = arith.constant 0 : i32
        %dma_start3A_100 = tpu.memref_slice %arg10[%dma_start3A_99] : memref<8200xi32, #tpu.memory_space<vmem>> -> memref<8192xi32, #tpu.memory_space<vmem>>
        %dma_start3A_101 = tpu.memref_slice %arg5[%mul3A_96] : memref<262144xi32, #tpu.memory_space<hbm>> -> memref<8192xi32, #tpu.memory_space<hbm>>
        %dma_start3A_102 = arith.constant 0 : i32
        %dma_start3A_103 = tpu.memref_slice %arg10[%dma_start3A_102] : memref<8200xi32, #tpu.memory_space<vmem>> -> memref<8192xi32, #tpu.memory_space<vmem>>
        %dma_start3A_104 = tpu.memref_slice %arg5[%mul3A_96] : memref<262144xi32, #tpu.memory_space<hbm>> -> memref<8192xi32, #tpu.memory_space<hbm>>
        tpu.enqueue_dma source(%dma_start3A_104 : memref<8192xi32, #tpu.memory_space<hbm>>) target(%dma_start3A_103 : memref<8192xi32, #tpu.memory_space<vmem>>) target_semaphore(%arg13 : memref<!tpu.dma_semaphore, #tpu.memory_space<semaphore_mem>>)
      } else {
      }
      %iota3A = tpu.iota {dimensions = array<i32: 0>} : vector<16xi32>
      %eq3A_42 = arith.constant 15 : i32
      %eq3A_43 = vector.broadcast %eq3A_42 : i32 to vector<16xi32>
      %eq3A_44 = arith.cmpi eq, %iota3A, %eq3A_43 : vector<16xi32>
      %sub3A = arith.constant 1 : i32
      %sub3A_45 = vector.broadcast %sub3A : i32 to vector<16xi32>
      %sub3A_46 = arith.subi %iota3A, %sub3A_45 : vector<16xi32>
      %max3A = arith.constant 0 : i32
      %max3A_47 = vector.broadcast %max3A : i32 to vector<16xi32>
      %max3A_48 = arith.maxsi %sub3A_46, %max3A_47 : vector<16xi32>
      %add3A_49 = arith.constant 1 : i32
      %add3A_50 = vector.broadcast %add3A_49 : i32 to vector<16xi32>
      %add3A_51 = arith.addi %iota3A, %add3A_50 : vector<16xi32>
      %min3A = arith.constant 15 : i32
      %min3A_52 = vector.broadcast %min3A : i32 to vector<16xi32>
      %min3A_53 = arith.minsi %add3A_51, %min3A_52 : vector<16xi32>
      %parallel_loop3A_54 = arith.constant 0 : i32
      %parallel_loop3A_55 = arith.constant 256 : i32
      %parallel_loop3A_56 = arith.constant 1 : i32
      scf.for %parallel_loop3A_95 = %parallel_loop3A_54 to %parallel_loop3A_55 step %parallel_loop3A_56  : i32 {
        %parallel_loop3A_96 = arith.constant 2 : i32
        %parallel_loop3A_97 = arith.muli %parallel_loop3A_95, %parallel_loop3A_96 : i32
        %parallel_loop3A_98 = arith.constant 0 : i32
        %parallel_loop3A_99 = arith.addi %parallel_loop3A_97, %parallel_loop3A_98 : i32
        %parallel_loop3A_100 = arith.constant 16 : i32
        %parallel_loop3A_101 = arith.muli %parallel_loop3A_99, %parallel_loop3A_100 : i32
        %parallel_loop3A_102 = arith.index_cast %parallel_loop3A_101 : i32 to index
        %parallel_loop3A_103 = tpu.vector_load %arg7[%parallel_loop3A_102] {strides = array<i32>} : memref<8192xf32, #tpu.memory_space<vmem>>, vector<16xf32>,
        %parallel_loop3A_104 = arith.index_cast %parallel_loop3A_101 : i32 to index
        %parallel_loop3A_105 = tpu.vector_load %arg9[%parallel_loop3A_104] {strides = array<i32>} : memref<8200xi32, #tpu.memory_space<vmem>>, vector<16xi32>,
        %parallel_loop3A_106 = arith.constant 1 : i32
        %parallel_loop3A_107 = arith.addi %parallel_loop3A_101, %parallel_loop3A_106 : i32
        %parallel_loop3A_108 = arith.index_cast %parallel_loop3A_107 : i32 to index
        %parallel_loop3A_109 = tpu.vector_load %arg9[%parallel_loop3A_108] {strides = array<i32>} : memref<8200xi32, #tpu.memory_space<vmem>>, vector<16xi32>,
        %parallel_loop3A_110 = vector.shape_cast %max3A_48 : vector<16xi32> to vector<16x1xi32>
        %parallel_loop3A_111 = vector.shape_cast %parallel_loop3A_110 : vector<16x1xi32> to vector<16xi32>
        %parallel_loop3A_112 = tpu.dynamic_gather %parallel_loop3A_105[%parallel_loop3A_111] in [0] : vector<16xi32>, vector<16xi32> -> vector<16xi32>
        %parallel_loop3A_113 = arith.constant true
        %parallel_loop3A_114 = vector.broadcast %parallel_loop3A_113 : i1 to vector<16xi1>
        %parallel_loop3A_115 = tpu.scan <sum>, %parallel_loop3A_103 masked %parallel_loop3A_114 : vector<16xf32>, vector<16xi1> -> vector<16xf32>
        %parallel_loop3A_116 = arith.cmpi ne, %parallel_loop3A_105, %parallel_loop3A_112 : vector<16xi32>
        %parallel_loop3A_117 = arith.cmpi ne, %parallel_loop3A_105, %parallel_loop3A_109 : vector<16xi32>
        %parallel_loop3A_118 = arith.ori %parallel_loop3A_117, %eq3A_44 : vector<16xi1>
        tpu.vector_store_idx %arg11[%parallel_loop3A_105], %parallel_loop3A_115 masked %parallel_loop3A_118 {add = true} : memref<32768xf32, #tpu.memory_space<vmem>>[vector<16xi32>], vector<16xf32>, vector<16xi1>
        %parallel_loop3A_119 = arith.subf %parallel_loop3A_103, %parallel_loop3A_115 : vector<16xf32>
        tpu.vector_store_idx %arg11[%parallel_loop3A_105], %parallel_loop3A_119 masked %parallel_loop3A_116 {add = true} : memref<32768xf32, #tpu.memory_space<vmem>>[vector<16xi32>], vector<16xf32>, vector<16xi1>
        %parallel_loop3A_120 = arith.constant 2 : i32
        %parallel_loop3A_121 = arith.muli %parallel_loop3A_95, %parallel_loop3A_120 : i32
        %parallel_loop3A_122 = arith.constant 1 : i32
        %parallel_loop3A_123 = arith.addi %parallel_loop3A_121, %parallel_loop3A_122 : i32
        %parallel_loop3A_124 = arith.constant 16 : i32
        %parallel_loop3A_125 = arith.muli %parallel_loop3A_123, %parallel_loop3A_124 : i32
        %parallel_loop3A_126 = arith.index_cast %parallel_loop3A_125 : i32 to index
        %parallel_loop3A_127 = tpu.vector_load %arg7[%parallel_loop3A_126] {strides = array<i32>} : memref<8192xf32, #tpu.memory_space<vmem>>, vector<16xf32>,
        %parallel_loop3A_128 = arith.index_cast %parallel_loop3A_125 : i32 to index
        %parallel_loop3A_129 = tpu.vector_load %arg9[%parallel_loop3A_128] {strides = array<i32>} : memref<8200xi32, #tpu.memory_space<vmem>>, vector<16xi32>,
        %parallel_loop3A_130 = vector.shape_cast %min3A_53 : vector<16xi32> to vector<16x1xi32>
        %parallel_loop3A_131 = vector.shape_cast %parallel_loop3A_130 : vector<16x1xi32> to vector<16xi32>
        %parallel_loop3A_132 = tpu.dynamic_gather %parallel_loop3A_129[%parallel_loop3A_131] in [0] : vector<16xi32>, vector<16xi32> -> vector<16xi32>
        %parallel_loop3A_133 = vector.shape_cast %max3A_48 : vector<16xi32> to vector<16x1xi32>
        %parallel_loop3A_134 = vector.shape_cast %parallel_loop3A_133 : vector<16x1xi32> to vector<16xi32>
        %parallel_loop3A_135 = tpu.dynamic_gather %parallel_loop3A_129[%parallel_loop3A_134] in [0] : vector<16xi32>, vector<16xi32> -> vector<16xi32>
        %parallel_loop3A_136 = arith.constant true
        %parallel_loop3A_137 = vector.broadcast %parallel_loop3A_136 : i1 to vector<16xi1>
        %parallel_loop3A_138 = tpu.scan <sum>, %parallel_loop3A_127 masked %parallel_loop3A_137 : vector<16xf32>, vector<16xi1> -> vector<16xf32>
        %parallel_loop3A_139 = arith.cmpi ne, %parallel_loop3A_129, %parallel_loop3A_135 : vector<16xi32>
        %parallel_loop3A_140 = arith.cmpi ne, %parallel_loop3A_129, %parallel_loop3A_132 : vector<16xi32>
        %parallel_loop3A_141 = arith.ori %parallel_loop3A_140, %eq3A_44 : vector<16xi1>
        tpu.vector_store_idx %arg11[%parallel_loop3A_129], %parallel_loop3A_138 masked %parallel_loop3A_141 {add = true} : memref<32768xf32, #tpu.memory_space<vmem>>[vector<16xi32>], vector<16xf32>, vector<16xi1>
        %parallel_loop3A_142 = arith.subf %parallel_loop3A_127, %parallel_loop3A_138 : vector<16xf32>
        tpu.vector_store_idx %arg11[%parallel_loop3A_129], %parallel_loop3A_142 masked %parallel_loop3A_139 {add = true} : memref<32768xf32, #tpu.memory_space<vmem>>[vector<16xi32>], vector<16xf32>, vector<16xi1>
      } {sc.loop_unroll_factor = 4 : i64, sc.parallel_access}
      %dma_wait3A_57 = arith.constant 0 : i32
      %dma_wait3A_58 = tpu.memref_slice %arg2[%dma_wait3A_57] : memref<13421772xf32, #tpu.memory_space<hbm>> -> memref<8192xf32, #tpu.memory_space<hbm>>
      %dma_wait3A_59 = arith.constant 0 : i32
      %dma_wait3A_60 = tpu.memref_slice %arg2[%dma_wait3A_59] : memref<13421772xf32, #tpu.memory_space<hbm>> -> memref<8192xf32, #tpu.memory_space<hbm>>
      tpu.wait_dma2 semaphore(%arg13 : memref<!tpu.dma_semaphore, #tpu.memory_space<semaphore_mem>>) src(%dma_wait3A_60 : memref<8192xf32, #tpu.memory_space<hbm>>) dst(%arg8 : memref<8192xf32, #tpu.memory_space<vmem>>)
      %dma_wait3A_61 = arith.constant 0 : i32
      %dma_wait3A_62 = tpu.memref_slice %arg10[%dma_wait3A_61] : memref<8200xi32, #tpu.memory_space<vmem>> -> memref<8192xi32, #tpu.memory_space<vmem>>
      %dma_wait3A_63 = arith.constant 0 : i32
      %dma_wait3A_64 = tpu.memref_slice %arg3[%dma_wait3A_63] : memref<13421772xi32, #tpu.memory_space<hbm>> -> memref<8192xi32, #tpu.memory_space<hbm>>
      %dma_wait3A_65 = arith.constant 0 : i32
      %dma_wait3A_66 = tpu.memref_slice %arg10[%dma_wait3A_65] : memref<8200xi32, #tpu.memory_space<vmem>> -> memref<8192xi32, #tpu.memory_space<vmem>>
      %dma_wait3A_67 = arith.constant 0 : i32
      %dma_wait3A_68 = tpu.memref_slice %arg3[%dma_wait3A_67] : memref<13421772xi32, #tpu.memory_space<hbm>> -> memref<8192xi32, #tpu.memory_space<hbm>>
      tpu.wait_dma2 semaphore(%arg13 : memref<!tpu.dma_semaphore, #tpu.memory_space<semaphore_mem>>) src(%dma_wait3A_68 : memref<8192xi32, #tpu.memory_space<hbm>>) dst(%dma_wait3A_66 : memref<8192xi32, #tpu.memory_space<vmem>>)
      %add3A_69 = arith.constant 1 : i32
      %add3A_70 = arith.addi %add3A_24, %add3A_69 : i32
      %lt3A_71 = arith.constant 52 : i32
      %lt3A_72 = arith.cmpi slt, %add3A_70, %lt3A_71 : i32
      %convert_element_type3A_73 = arith.extui %lt3A_72 : i1 to i32
      %cond3A_74 = arith.constant 0 : i32
      %cond3A_75 = arith.cmpi ne, %convert_element_type3A_73, %cond3A_74 : i32
      scf.if %cond3A_75 {
        %add3A_95 = arith.constant 1 : i32
        %add3A_96 = arith.addi %add3A_24, %add3A_95 : i32
        %lt3A_97 = arith.constant 51 : i32
        %lt3A_98 = arith.cmpi slt, %add3A_96, %lt3A_97 : i32
        %convert_element_type3A_99 = arith.extui %lt3A_98 : i1 to i32
        %cond3A_100 = arith.constant 0 : i32
        %cond3A_101 = arith.cmpi ne, %convert_element_type3A_99, %cond3A_100 : i32
        scf.if %cond3A_101 {
          %mul3A_107 = arith.constant 8192 : i32
          %mul3A_108 = arith.muli %add3A_96, %mul3A_107 : i32
          %add3A_109 = arith.addi %mul3A_2, %mul3A_108 : i32
          %dma_start3A_110 = tpu.memref_slice %arg2[%add3A_109] : memref<13421772xf32, #tpu.memory_space<hbm>> -> memref<8192xf32, #tpu.memory_space<hbm>>
          %dma_start3A_111 = tpu.memref_slice %arg2[%add3A_109] : memref<13421772xf32, #tpu.memory_space<hbm>> -> memref<8192xf32, #tpu.memory_space<hbm>>
          tpu.enqueue_dma source(%dma_start3A_111 : memref<8192xf32, #tpu.memory_space<hbm>>) target(%arg7 : memref<8192xf32, #tpu.memory_space<vmem>>) target_semaphore(%arg12 : memref<!tpu.dma_semaphore, #tpu.memory_space<semaphore_mem>>)
          %dma_start3A_112 = arith.constant 0 : i32
          %dma_start3A_113 = tpu.memref_slice %arg9[%dma_start3A_112] : memref<8200xi32, #tpu.memory_space<vmem>> -> memref<8192xi32, #tpu.memory_space<vmem>>
          %dma_start3A_114 = tpu.memref_slice %arg3[%add3A_109] : memref<13421772xi32, #tpu.memory_space<hbm>> -> memref<8192xi32, #tpu.memory_space<hbm>>
          %dma_start3A_115 = arith.constant 0 : i32
          %dma_start3A_116 = tpu.memref_slice %arg9[%dma_start3A_115] : memref<8200xi32, #tpu.memory_space<vmem>> -> memref<8192xi32, #tpu.memory_space<vmem>>
          %dma_start3A_117 = tpu.memref_slice %arg3[%add3A_109] : memref<13421772xi32, #tpu.memory_space<hbm>> -> memref<8192xi32, #tpu.memory_space<hbm>>
          tpu.enqueue_dma source(%dma_start3A_117 : memref<8192xi32, #tpu.memory_space<hbm>>) target(%dma_start3A_116 : memref<8192xi32, #tpu.memory_space<vmem>>) target_semaphore(%arg12 : memref<!tpu.dma_semaphore, #tpu.memory_space<semaphore_mem>>)
        } else {
        }
        %eq3A_102 = arith.constant 51 : i32
        %eq3A_103 = arith.cmpi eq, %add3A_96, %eq3A_102 : i32
        %convert_element_type3A_104 = arith.extui %eq3A_103 : i1 to i32
        %cond3A_105 = arith.constant 0 : i32
        %cond3A_106 = arith.cmpi ne, %convert_element_type3A_104, %cond3A_105 : i32
        scf.if %cond3A_106 {
          %mul3A_107 = arith.constant 8192 : i32
          %mul3A_108 = arith.muli %add3A, %mul3A_107 : i32
          %dma_start3A_109 = tpu.memref_slice %arg4[%mul3A_108] : memref<262144xf32, #tpu.memory_space<hbm>> -> memref<8192xf32, #tpu.memory_space<hbm>>
          %dma_start3A_110 = tpu.memref_slice %arg4[%mul3A_108] : memref<262144xf32, #tpu.memory_space<hbm>> -> memref<8192xf32, #tpu.memory_space<hbm>>
          tpu.enqueue_dma source(%dma_start3A_110 : memref<8192xf32, #tpu.memory_space<hbm>>) target(%arg7 : memref<8192xf32, #tpu.memory_space<vmem>>) target_semaphore(%arg12 : memref<!tpu.dma_semaphore, #tpu.memory_space<semaphore_mem>>)
          %dma_start3A_111 = arith.constant 0 : i32
          %dma_start3A_112 = tpu.memref_slice %arg9[%dma_start3A_111] : memref<8200xi32, #tpu.memory_space<vmem>> -> memref<8192xi32, #tpu.memory_space<vmem>>
          %dma_start3A_113 = tpu.memref_slice %arg5[%mul3A_108] : memref<262144xi32, #tpu.memory_space<hbm>> -> memref<8192xi32, #tpu.memory_space<hbm>>
          %dma_start3A_114 = arith.constant 0 : i32
          %dma_start3A_115 = tpu.memref_slice %arg9[%dma_start3A_114] : memref<8200xi32, #tpu.memory_space<vmem>> -> memref<8192xi32, #tpu.memory_space<vmem>>
          %dma_start3A_116 = tpu.memref_slice %arg5[%mul3A_108] : memref<262144xi32, #tpu.memory_space<hbm>> -> memref<8192xi32, #tpu.memory_space<hbm>>
          tpu.enqueue_dma source(%dma_start3A_116 : memref<8192xi32, #tpu.memory_space<hbm>>) target(%dma_start3A_115 : memref<8192xi32, #tpu.memory_space<vmem>>) target_semaphore(%arg12 : memref<!tpu.dma_semaphore, #tpu.memory_space<semaphore_mem>>)
        } else {
        }
      } else {
      }
      %iota3A_76 = tpu.iota {dimensions = array<i32: 0>} : vector<16xi32>
      %eq3A_77 = arith.constant 15 : i32
      %eq3A_78 = vector.broadcast %eq3A_77 : i32 to vector<16xi32>
      %eq3A_79 = arith.cmpi eq, %iota3A_76, %eq3A_78 : vector<16xi32>
      %sub3A_80 = arith.constant 1 : i32
      %sub3A_81 = vector.broadcast %sub3A_80 : i32 to vector<16xi32>
      %sub3A_82 = arith.subi %iota3A_76, %sub3A_81 : vector<16xi32>
      %max3A_83 = arith.constant 0 : i32
      %max3A_84 = vector.broadcast %max3A_83 : i32 to vector<16xi32>
      %max3A_85 = arith.maxsi %sub3A_82, %max3A_84 : vector<16xi32>
      %add3A_86 = arith.constant 1 : i32
      %add3A_87 = vector.broadcast %add3A_86 : i32 to vector<16xi32>
      %add3A_88 = arith.addi %iota3A_76, %add3A_87 : vector<16xi32>
      %min3A_89 = arith.constant 15 : i32
      %min3A_90 = vector.broadcast %min3A_89 : i32 to vector<16xi32>
      %min3A_91 = arith.minsi %add3A_88, %min3A_90 : vector<16xi32>
      %parallel_loop3A_92 = arith.constant 0 : i32
      %parallel_loop3A_93 = arith.constant 256 : i32
      %parallel_loop3A_94 = arith.constant 1 : i32
      scf.for %parallel_loop3A_95 = %parallel_loop3A_92 to %parallel_loop3A_93 step %parallel_loop3A_94  : i32 {
        %parallel_loop3A_96 = arith.constant 2 : i32
        %parallel_loop3A_97 = arith.muli %parallel_loop3A_95, %parallel_loop3A_96 : i32
        %parallel_loop3A_98 = arith.constant 0 : i32
        %parallel_loop3A_99 = arith.addi %parallel_loop3A_97, %parallel_loop3A_98 : i32
        %parallel_loop3A_100 = arith.constant 16 : i32
        %parallel_loop3A_101 = arith.muli %parallel_loop3A_99, %parallel_loop3A_100 : i32
        %parallel_loop3A_102 = arith.index_cast %parallel_loop3A_101 : i32 to index
        %parallel_loop3A_103 = tpu.vector_load %arg8[%parallel_loop3A_102] {strides = array<i32>} : memref<8192xf32, #tpu.memory_space<vmem>>, vector<16xf32>,
        %parallel_loop3A_104 = arith.index_cast %parallel_loop3A_101 : i32 to index
        %parallel_loop3A_105 = tpu.vector_load %arg10[%parallel_loop3A_104] {strides = array<i32>} : memref<8200xi32, #tpu.memory_space<vmem>>, vector<16xi32>,
        %parallel_loop3A_106 = arith.constant 1 : i32
        %parallel_loop3A_107 = arith.addi %parallel_loop3A_101, %parallel_loop3A_106 : i32
        %parallel_loop3A_108 = arith.index_cast %parallel_loop3A_107 : i32 to index
        %parallel_loop3A_109 = tpu.vector_load %arg10[%parallel_loop3A_108] {strides = array<i32>} : memref<8200xi32, #tpu.memory_space<vmem>>, vector<16xi32>,
        %parallel_loop3A_110 = vector.shape_cast %max3A_85 : vector<16xi32> to vector<16x1xi32>
        %parallel_loop3A_111 = vector.shape_cast %parallel_loop3A_110 : vector<16x1xi32> to vector<16xi32>
        %parallel_loop3A_112 = tpu.dynamic_gather %parallel_loop3A_105[%parallel_loop3A_111] in [0] : vector<16xi32>, vector<16xi32> -> vector<16xi32>
        %parallel_loop3A_113 = arith.constant true
        %parallel_loop3A_114 = vector.broadcast %parallel_loop3A_113 : i1 to vector<16xi1>
        %parallel_loop3A_115 = tpu.scan <sum>, %parallel_loop3A_103 masked %parallel_loop3A_114 : vector<16xf32>, vector<16xi1> -> vector<16xf32>
        %parallel_loop3A_116 = arith.cmpi ne, %parallel_loop3A_105, %parallel_loop3A_112 : vector<16xi32>
        %parallel_loop3A_117 = arith.cmpi ne, %parallel_loop3A_105, %parallel_loop3A_109 : vector<16xi32>
        %parallel_loop3A_118 = arith.ori %parallel_loop3A_117, %eq3A_79 : vector<16xi1>
        tpu.vector_store_idx %arg11[%parallel_loop3A_105], %parallel_loop3A_115 masked %parallel_loop3A_118 {add = true} : memref<32768xf32, #tpu.memory_space<vmem>>[vector<16xi32>], vector<16xf32>, vector<16xi1>
        %parallel_loop3A_119 = arith.subf %parallel_loop3A_103, %parallel_loop3A_115 : vector<16xf32>
        tpu.vector_store_idx %arg11[%parallel_loop3A_105], %parallel_loop3A_119 masked %parallel_loop3A_116 {add = true} : memref<32768xf32, #tpu.memory_space<vmem>>[vector<16xi32>], vector<16xf32>, vector<16xi1>
        %parallel_loop3A_120 = arith.constant 2 : i32
        %parallel_loop3A_121 = arith.muli %parallel_loop3A_95, %parallel_loop3A_120 : i32
        %parallel_loop3A_122 = arith.constant 1 : i32
        %parallel_loop3A_123 = arith.addi %parallel_loop3A_121, %parallel_loop3A_122 : i32
        %parallel_loop3A_124 = arith.constant 16 : i32
        %parallel_loop3A_125 = arith.muli %parallel_loop3A_123, %parallel_loop3A_124 : i32
        %parallel_loop3A_126 = arith.index_cast %parallel_loop3A_125 : i32 to index
        %parallel_loop3A_127 = tpu.vector_load %arg8[%parallel_loop3A_126] {strides = array<i32>} : memref<8192xf32, #tpu.memory_space<vmem>>, vector<16xf32>,
        %parallel_loop3A_128 = arith.index_cast %parallel_loop3A_125 : i32 to index
        %parallel_loop3A_129 = tpu.vector_load %arg10[%parallel_loop3A_128] {strides = array<i32>} : memref<8200xi32, #tpu.memory_space<vmem>>, vector<16xi32>,
        %parallel_loop3A_130 = vector.shape_cast %min3A_91 : vector<16xi32> to vector<16x1xi32>
        %parallel_loop3A_131 = vector.shape_cast %parallel_loop3A_130 : vector<16x1xi32> to vector<16xi32>
        %parallel_loop3A_132 = tpu.dynamic_gather %parallel_loop3A_129[%parallel_loop3A_131] in [0] : vector<16xi32>, vector<16xi32> -> vector<16xi32>
        %parallel_loop3A_133 = vector.shape_cast %max3A_85 : vector<16xi32> to vector<16x1xi32>
        %parallel_loop3A_134 = vector.shape_cast %parallel_loop3A_133 : vector<16x1xi32> to vector<16xi32>
        %parallel_loop3A_135 = tpu.dynamic_gather %parallel_loop3A_129[%parallel_loop3A_134] in [0] : vector<16xi32>, vector<16xi32> -> vector<16xi32>
        %parallel_loop3A_136 = arith.constant true
        %parallel_loop3A_137 = vector.broadcast %parallel_loop3A_136 : i1 to vector<16xi1>
        %parallel_loop3A_138 = tpu.scan <sum>, %parallel_loop3A_127 masked %parallel_loop3A_137 : vector<16xf32>, vector<16xi1> -> vector<16xf32>
        %parallel_loop3A_139 = arith.cmpi ne, %parallel_loop3A_129, %parallel_loop3A_135 : vector<16xi32>
        %parallel_loop3A_140 = arith.cmpi ne, %parallel_loop3A_129, %parallel_loop3A_132 : vector<16xi32>
        %parallel_loop3A_141 = arith.ori %parallel_loop3A_140, %eq3A_79 : vector<16xi1>
        tpu.vector_store_idx %arg11[%parallel_loop3A_129], %parallel_loop3A_138 masked %parallel_loop3A_141 {add = true} : memref<32768xf32, #tpu.memory_space<vmem>>[vector<16xi32>], vector<16xf32>, vector<16xi1>
        %parallel_loop3A_142 = arith.subf %parallel_loop3A_127, %parallel_loop3A_138 : vector<16xf32>
        tpu.vector_store_idx %arg11[%parallel_loop3A_129], %parallel_loop3A_142 masked %parallel_loop3A_139 {add = true} : memref<32768xf32, #tpu.memory_space<vmem>>[vector<16xi32>], vector<16xf32>, vector<16xi1>
      } {sc.loop_unroll_factor = 4 : i64, sc.parallel_access}
    }
    %scan3A_19 = arith.constant 26 : i32
    "tpu.region"() ({
      %run_scoped3A = tpu.sem_alloc : memref<!tpu.dma_semaphore, #tpu.memory_space<semaphore_mem>>
      %dma_start3A_20 = arith.constant 0 : i32
      %dma_start3A_21 = tpu.memref_slice %arg6[%add3A, %dma_start3A_20] : memref<32x32768xf32, #tpu.memory_space<hbm>> -> memref<1x32768xf32, #tpu.memory_space<hbm>>
      %dma_start3A_22 = tpu.memref_squeeze %dma_start3A_21 : memref<1x32768xf32, #tpu.memory_space<hbm>> -> memref<32768xf32, #tpu.memory_space<hbm>>
      %dma_start3A_23 = arith.constant 0 : i32
      %dma_start3A_24 = tpu.memref_slice %arg6[%add3A, %dma_start3A_23] : memref<32x32768xf32, #tpu.memory_space<hbm>> -> memref<1x32768xf32, #tpu.memory_space<hbm>>
      %dma_start3A_25 = tpu.memref_squeeze %dma_start3A_24 : memref<1x32768xf32, #tpu.memory_space<hbm>> -> memref<32768xf32, #tpu.memory_space<hbm>>
      tpu.enqueue_dma source(%arg11 : memref<32768xf32, #tpu.memory_space<vmem>>) target(%dma_start3A_25 : memref<32768xf32, #tpu.memory_space<hbm>>) target_semaphore(%run_scoped3A : memref<!tpu.dma_semaphore, #tpu.memory_space<semaphore_mem>>)
      %dma_wait3A = arith.constant 0 : i32
      %dma_wait3A_26 = tpu.memref_slice %arg6[%add3A, %dma_wait3A] : memref<32x32768xf32, #tpu.memory_space<hbm>> -> memref<1x32768xf32, #tpu.memory_space<hbm>>
      %dma_wait3A_27 = tpu.memref_squeeze %dma_wait3A_26 : memref<1x32768xf32, #tpu.memory_space<hbm>> -> memref<32768xf32, #tpu.memory_space<hbm>>
      %dma_wait3A_28 = arith.constant 0 : i32
      %dma_wait3A_29 = tpu.memref_slice %arg6[%add3A, %dma_wait3A_28] : memref<32x32768xf32, #tpu.memory_space<hbm>> -> memref<1x32768xf32, #tpu.memory_space<hbm>>
      %dma_wait3A_30 = tpu.memref_squeeze %dma_wait3A_29 : memref<1x32768xf32, #tpu.memory_space<hbm>> -> memref<32768xf32, #tpu.memory_space<hbm>>
      tpu.wait_dma2 semaphore(%run_scoped3A : memref<!tpu.dma_semaphore, #tpu.memory_space<semaphore_mem>>) src(%arg11 : memref<32768xf32, #tpu.memory_space<vmem>>) dst(%dma_wait3A_30 : memref<32768xf32, #tpu.memory_space<hbm>>)
      tpu.yield
    }) : () -> ()
    return
  }
}

module attributes {stable_mosaic.version = 14 : i64} {
  func.func @_tc_reduce(%arg0: memref<32x32768xf32, #tpu.memory_space<vmem>>, %arg1: memref<32768xf32, #tpu.memory_space<vmem>>) attributes {dimension_semantics = [], scalar_prefetch = 0 : i64, scratch_operands = 0 : i64, tpu.core_type = #tpu.core_type<tc>} {
    %get3A = arith.constant 0 : index
    %get3A_0 = arith.constant 0 : index
    %get3A_1 = vector.load %arg0[%get3A, %get3A_0] : memref<32x32768xf32, #tpu.memory_space<vmem>>, vector<32x32768xf32>
    %reduce_sum3A = arith.constant dense<0.000000e+00> : vector<32768xf32>
    %reduce_sum3A_2 = vector.multi_reduction <add>, %get3A_1, %reduce_sum3A [0] : vector<32x32768xf32> to vector<32768xf32>
    %swap3A = arith.constant 0 : index
    %swap3A_3 = vector.load %arg1[%swap3A] : memref<32768xf32, #tpu.memory_space<vmem>>, vector<32768xf32>
    tpu.vector_store %arg1[%swap3A], %reduce_sum3A_2 {strides = array<i32>} : memref<32768xf32, #tpu.memory_space<vmem>>, vector<32768xf32>,
    return
  }
}

</mosaic_0001>

<sc_bundles>
// kernel: kernel.4.cloned.1.call-start
scs
__scs_entry_jumppad:
0x0: {  	(pc) =	sbr.rel $0x88, $3  }
0x1: {  	(tag) =	ssettag $0x0;
	lr =	simm.s32 $0x1  }
0x2: {  	[smem:$0x3F9F] =	sst lr;
	_ =	strace $0xD0000000  }
0x3: {  	_ = 	snop  }
0x4: {  	_ = 	snop  }
0x5: {  	_ = 	snop  }
0x6: {  	_ = 	snop  }
0x7: {  	_ = 	snop  }
__scs_overlays_trampoline_lowered:
0x8: {  	[smem:$0x3FAE] =	sst s0  }
0x9: {  	[smem:$0x3FAF] =	sst s1  }
0xa: {  	[smem:$0x3FB0] =	sst s2  }
0xb: {  	[smem:$0x3FB1] =	sst s3  }
0xc: {  	[smem:$0x3FB2] =	sst s4  }
0xd: {  	[smem:$0x3FB3] =	sst s5  }
0xe: {  	[smem:$0x3FB4] =	sst s6  }
0xf: {  	[smem:$0x3FB5] =	sst s7  }
0x10: {  	[smem:$0x3FB6] =	sst s8  }
0x11: {  	[smem:$0x3FB7] =	sst s9;
	s0 =	simm.s32 @!p0 $0x0  }
0x12: {  	s1 =	sld [smem:$0x3F9D];
	s0 =	simm.s32 @p0 $0x1  }
0x13: {  	[smem:$0x3FB8] =	sst s0;
	s0 =	simm.s32 @!p1 $0x0  }
0x14: {  	s2 =	sld [smem:$0x3F9C];
	s0 =	simm.s32 @p1 $0x1  }
0x15: {  	[smem:$0x3FB9] =	sst s0;
	s0 =	simm.s32 @!p2 $0x0  }
0x16: {  	s3 =	sld [smem:$0x3FDB];
	s0 =	simm.s32 @p2 $0x1  }
0x17: {  	s4 =	simm.s32 $0x1BF5;
	[smem:$0x3FBB] =	sst s0  }
0x18: {  	s0 =	sld [smem:$0x3F9E];
	_ =	swait.ge [sflag:s4], $0x0  }
0x19: {  	s7 =	sld [smem:$0x3F9F]  }
0x1a: {  	s8 =	sadd.s32 $0xFFFFE003, lr  }
0x1b: {  	s9 =	sadd.s32 $0xFFFFFEF7, lr;
	s5 =	simm.s32 $0xFFFFFFFF;
	p2 =	slt.u32 s8, $0xFFFFF086  }
0x1c: {  	p1 =	slt.u32 s9, $0xF7A;
	s5 =	simm.s32 @!p2 $0x0  }
0x1d: {  	s5 =	simm.s32 @p1 $0x1;
	p0 =	seq.s32 s7, s2  }
0x1e: {  	s7 =	smul.u32 @!p0 $0xF7A, s2;
	p2 =	seq.s32 @!p0 s5, $0x0  }
0x1f: {  	s9 =	smul.u32 $0xF7A, s1;
	s8 =	simm.s32 @!p0 $0x1BF5;
	p2 =	por !p2, p0  }
0x20: {  	[sflag:s8] =	ssyncset.s32 @!p0 $0xFFFFF086;
	s6 =	sadd.s32 @!p0 s3, s7;
	s7 =	simm.s32 @!p0 $0x108  }
0x21: {  	s3 =	sadd.s32 s3, s9;
	s6 =	sadd.s32 @!p0 $0x88, s6;
	s7 =	simm.s32 @p2 $0x1082  }
0x22: {  	[simem:s7], [sflag:s8] =	dma.local @!p0 [hbm:s6], $0xF7A  }
0x23: {  	s9 =	sor.u32 $0xD0000000, s2;
	s6 =	simm.s32 $0x108;
	_ =	swait.ge @!p0 [sflag:s8], $0x0  }
0x24: {  	s3 =	sadd.s32 $0x88, s3;
	s6 =	simm.s32 @!p1 $0x1082;
	[sflag:s4] =	ssyncset.s32 $0xFFFFF086  }
0x25: {  	[simem:s6], [sflag:s4] =	dma.local [hbm:s3], $0xF7A  }
0x26: {  	[smem:$0x3F9F] =	sst s1;
	(tag) =	ssettag s2;
	_ =	strace s9  }
0x27: {  	s1 =	sld [smem:$0x3FAF]  }
0x28: {  	s2 =	sld [smem:$0x3FB0]  }
0x29: {  	s4 =	sld [smem:$0x3FB2]  }
0x2a: {  	p0 =	seq.s32 s5, $0x0;
	s5 =	sld [smem:$0x3FB3]  }
0x2b: {  	s6 =	sld [smem:$0x3FB4]  }
0x2c: {  	s7 =	sld [smem:$0x3FB5]  }
0x2d: {  	s3 =	simm.s32 $0x108;
	s8 =	sld [smem:$0x3FB6]  }
0x2e: {  	s3 =	simm.s32 @!p0 $0x1082;
	s9 =	sld [smem:$0x3FB7]  }
0x2f: {  	lr =	sadd.s32 s0, s3;
	s0 =	sld [smem:$0x3FAE]  }
0x30: {  	s3 =	sld [smem:$0x3FB1]  }
0x31: {  	[smem:$0x3FBA] =	sst s10  }
0x32: {  	s10 =	sld [smem:$0x3FB8];
	_ =	sdelay $0x3  }
0x33: {  	p0 =	seq.s32 s10, $0x1;
	s10 =	sld [smem:$0x3FBA];
	_ =	sdelay $0x3  }
0x34: {  	[smem:$0x3FBA] =	sst s10  }
0x35: {  	s10 =	sld [smem:$0x3FB9];
	_ =	sdelay $0x3  }
0x36: {  	p1 =	seq.s32 s10, $0x1;
	s10 =	sld [smem:$0x3FBA];
	_ =	sdelay $0x3  }
0x37: {  	[smem:$0x3FBA] =	sst s10  }
0x38: {  	s10 =	sld [smem:$0x3FBB]  }
0x39: {  	_ = 	snop;
	(pc) =	sbr.ind lr, $3  }
0x3a: {  	_ = 	snop  }
0x3b: {  	_ = 	snop  }
0x3c: {  	p2 =	seq.s32 s10, $0x1;
	s10 =	sld [smem:$0x3FBA]  }
0x3d: {  	_ =	shalt  }
0x3e: {  	_ =	shalt  }
0x3f: {  	_ =	shalt  }
0x40: {  	_ =	shalt  }
0x41: {  	_ =	shalt  }
0x42: {  	_ =	shalt  }
0x43: {  	_ =	shalt  }
0x44: {  	_ =	shalt  }
0x45: {  	_ =	shalt  }
0x46: {  	_ =	shalt  }
0x47: {  	_ =	shalt  }
0x48: {  	_ =	shalt  }
0x49: {  	_ =	shalt  }
0x4a: {  	_ =	shalt  }
0x4b: {  	_ =	shalt  }
0x4c: {  	_ =	shalt  }
0x4d: {  	_ =	shalt  }
0x4e: {  	_ =	shalt  }
0x4f: {  	_ =	shalt  }
0x50: {  	_ =	shalt  }
0x51: {  	_ =	shalt  }
0x52: {  	_ =	shalt  }
0x53: {  	_ =	shalt  }
0x54: {  	_ =	shalt  }
0x55: {  	_ =	shalt  }
0x56: {  	_ =	shalt  }
0x57: {  	_ =	shalt  }
0x58: {  	_ =	shalt  }
0x59: {  	_ =	shalt  }
0x5a: {  	_ =	shalt  }
0x5b: {  	_ =	shalt  }
0x5c: {  	_ =	shalt  }
0x5d: {  	_ =	shalt  }
0x5e: {  	_ =	shalt  }
0x5f: {  	_ =	shalt  }
0x60: {  	_ =	shalt  }
0x61: {  	_ =	shalt  }
0x62: {  	_ =	shalt  }
0x63: {  	_ =	shalt  }
0x64: {  	_ =	shalt  }
0x65: {  	_ =	shalt  }
0x66: {  	_ =	shalt  }
0x67: {  	_ =	shalt  }
0x68: {  	_ =	shalt  }
0x69: {  	_ =	shalt  }
0x6a: {  	_ =	shalt  }
0x6b: {  	_ =	shalt  }
0x6c: {  	_ =	shalt  }
0x6d: {  	_ =	shalt  }
0x6e: {  	_ =	shalt  }
0x6f: {  	_ =	shalt  }
0x70: {  	_ =	shalt  }
0x71: {  	_ =	shalt  }
0x72: {  	_ =	shalt  }
0x73: {  	_ =	shalt  }
0x74: {  	_ =	shalt  }
0x75: {  	_ =	shalt  }
0x76: {  	_ =	shalt  }
0x77: {  	_ =	shalt  }
0x78: {  	_ =	shalt  }
0x79: {  	_ =	shalt  }
0x7a: {  	_ =	shalt  }
0x7b: {  	_ =	shalt  }
0x7c: {  	_ =	shalt  }
0x7d: {  	_ =	shalt  }
0x7e: {  	_ =	shalt  }
0x7f: {  	_ =	shalt  }
0x80: {  	_ =	shalt  }
0x81: {  	_ =	shalt  }
0x82: {  	_ =	shalt  }
0x83: {  	_ =	shalt  }
0x84: {  	_ =	shalt  }
0x85: {  	_ =	shalt  }
0x86: {  	_ =	shalt  }
0x87: {  	_ =	shalt  }
.Lfunc_end0:
.L_simem_size_0:
called_computation_lowered:
.L_overlay_start_0:
0x88: {  	s2 =	sld [smem:$0x3FD9]  }
0x89: {  	s3 =	sld [smem:$0x3FFE];
	_ =	sdelay $0x1  }
0x8a: {  	s1 =	srdreg.scid  }
0x8b: {  	s0 =	sand.u32 $0x1, s1  }
0x8c: {  	s17 =	sshll.u32 s0, $0xA;
	s2 =	sadd.s32 s3, s2  }
0x8d: {  	s2 =	sadd.s32 s2, s17  }
0x8e: {  	[smem:$0x3FC6] =	sst s2  }
0x8f: {  	_ = 	snop  }
0x90: {  	s2 =	sld [smem:$0x3FC9]  }
0x91: {  	s18 =	sld [smem:$0x3FC8];
	(tm) =	ssettm $0x1  }
0x92: {  	s4 =	sld [smem:$0x3FFB];
	_ =	sdelay $0x3  }
0x93: {  	_ =	strace s4  }
0x94: {  	s4 =	sld [smem:$0x3FFC];
	_ =	sdelay $0x3  }
0x95: {  	_ =	strace s4  }
0x96: {  	s4 =	sld [smem:$0x3FFD];
	_ =	sdelay $0x3  }
0x97: {  	_ =	strace s4  }
0x98: {  	_ =	strace $0x8FFFFFFF  }
0x99: {  	s19 =	sld [smem:$0x3FDB];
	_ =	sdelay $0x1  }
0x9a: {  	s5 =	simm.s32 $_scs_section_size  }
0x9b: {  	s6 =	simm.s32 $_size__tile_overlayer_lowered;
	s7 =	simm.s32 $_tile_overlayer_lowered  }
0x9c: {  	s22 =	simm.s32 $0x1BFF;
	s21 =	sshll.u32 s7, $0x1;
	s4 =	sadd.s32 s5, s19  }
0x9d: {  	s8 =	simm.s32 $0x0;
	s20 =	sshll.u32 s6, $0x1;
	s6 =	sadd.s32 s21, s4  }
0x9e: {  	[timem:s8], [sflag:s22] =	dma.local [hbm:s6], s20  }
0x9f: {  	_ =	swait.ge [sflag:s22], s20  }
0xa0: {  	s5 =	ssub.s32 $0x0, s20;
	[sflag:s22] =	ssyncset.done $0x0  }
0xa1: {  	[sflag:s22] =	ssyncadd.s32 s5;
	_ =	sdelay $0x1  }
0xa2: {  	s23 =	simm.s32 $0x1B8B  }
0xa3: {  	_ =	swait.ge [sflag:s23], $0x1  }
0xa4: {  	[sflag:s23] =	ssyncset.done $0x0  }
0xa5: {  	s25 =	simm.s32 $0x1B8E;
	s24 =	sld [smem:$0x3FFE];
	[sflag:s23] =	ssyncadd.s32 $0xFFFFFFFF  }
0xa6: {  	s26 =	simm.s32 $execute0_lowered;
	[smem:$0x3FD2] =	sst s25  }
0xa7: {  	s6 =	sshll.u32 s26, $0x1;
	_ =	strace $0x80000046;
	[dreg:$0x1] =	wrdreg $0xFFFFFFFF  }
0xa8: {  	s28 =	simm.s32 $_size_execute0_lowered;
	s4 =	sadd.s32 s4, s6;
	[dreg:$0x0] =	wrdreg $0x0  }
0xa9: {  	s6 =	sshll.u32 s28, $0x1;
	[dreg:$0x2] =	wrdreg s4  }
0xaa: {  	[dreg:$0x3] =	wrdreg s6  }
0xab: {  	[dreg:$0x4] =	wrdreg $0xC0  }
0xac: {  	_ =	task [dreg:s8], $0x5FFFF  }
0xad: {  	[dreg:$0x1] =	wrdreg $0xFFFFFFFF  }
0xae: {  	[dreg:$0x0] =	wrdreg $0x60  }
0xaf: {  	[dreg:$0x2] =	wrdreg s2  }
0xb0: {  	[dreg:$0x3] =	wrdreg s18  }
0xb1: {  	[dreg:$0x4] =	wrdreg s24  }
0xb2: {  	[dreg:$0x5] =	wrdreg $0x9  }
0xb3: {  	_ =	task.clear_ibuf [dreg:s8], $0x6FFFF;
	_ =	strace $0x90000046  }
0xb4: {  	s29 =	simm.s32 $0x9;
	_ =	strace $0x80000048  }
0xb5: {  	_ =	swait.ge [sflag:s29], $0x1  }
0xb6: {  	[sflag:s29] =	ssyncadd.s32 $0xFFFFFFFF  }
0xb7: {  	_ =	strace $0x90000048  }
0xb8: {  	_ =	sfence  }
0xb9: {  	s30 =	sld [smem:$0x0];
	_ =	sdelay $0x2  }
0xba: {  	s31 =	sshll.u32 s1, $0xD;
	s1 =	sshrl.u32 s1, $0x2  }
0xbb: {  	s3 =	sand.u32 $0x4000, s31;
	s1 =	sadd.s32 s1, s30  }
0xbc: {  	s0 =	sor.u32 s3, s0;
	s1 =	sshll.u32 s1, $0x11  }
0xbd: {  	s0 =	sor.u32 s1, s0  }
0xbe: {  	s0 =	sadd.s32 $0x8F2B, s0  }
0xbf: {  	[sflag:s0] =	ssyncadd.remote.s32 $0x1  }
0xc0: {  	_ =	sfence.sel $0xFFFF  }
0xc1: {  	[dreg:$0x0] =	wrdreg $0xFFFFFFFF;
	(pc) =	sbr.abs _section_cstart, $3  }
0xc2: {  	[dreg:$0x1] =	wrdreg $0xFFFFFFFF  }
0xc3: {  	_ =	task.clear_ibuf [dreg:s8], $0x2FFFF;
	_ =	strace $0x9FFFFFFF  }
0xc4: {  	(tm) =	ssettm $0x7FFFFFFF  }
0xc5: {  	_ =	shalt  }
tec
execute0_lowered:
.L_overlay_start_1:
0x0: {  	(tag) =	ssettag $0x1  }
0x1: {  	s1 =	rddreg [dreg:$0x0]  }
0x2: {  	s2 =	rddreg [dreg:$0x1]  }
0x3: {  	s6 =	rddreg [dreg:$0x2]  }
0x4: {  	s3 =	srdreg.scid;
	s0 =	rddreg [dreg:$0x3];
	s4 =	simm.s32 $0x0  }
0x5: {  	s14 =	simm.s32 $0x1;
	s15 =	simm.s32 $0x8100;
	s16 =	simm.s32 $0x2  }
0x6: {  	s17 =	simm.s32 $0x80;
	s18 =	simm.s32 $0x400;
	s19 =	simm.s32 $0x3  }
0x7: {  	s7 =	sand.u32 $0x1, s3;
	[smem:$0x7FF] =	sst s4;
	s3 =	stileid.u32  }
0x8: {  	v0 =	vimm.s32 $0xFFEDCBA9;
	v1 =	vimm.s32 $0x87654321;
	s5 =	sshll.u32 s7, $0x4;
	_ =	strace $0x80000047;
	s10 =	sshll.u32 s3, $0x4  }
0x9: {  	v2 =	vimm.s32 $0xEDCBA987;
	v0 =	vunpack.c.l.s4.s8 v0;
	v1 =	vunpack.c.l.s4.s8 v1;
	s7 =	ssub.s32 $0x2, s7;
	s8 =	sor.u32 s3, s5;
	s10 =	sand.u32 $0x70, s10  }
0xa: {  	v3 =	vimm.s32 $0x65432100;
	v2 =	vunpack.c.l.s4.s8 v2;
	s30 =	sshrl.u32 s7, $0x1;
	s9 =	sshll.u32 s8, $0xA;
	s5 =	smul.u32 $0x66000, s8  }
0xb: {  	v3 =	vunpack.c.l.s4.s8 v3;
	v0 =	vunpack.c.0.s8.s32 v0;
	v1 =	vunpack.c.0.s8.s32 v1;
	s11 =	sadd.s32 s10, s6;
	s12 =	ssub.s32 s7, s30;
	s13 =	sshll.u32 s8, $0xC  }
0xc: {  	v2 =	vunpack.c.0.s8.s32 v2;
	s9 =	sadd.s32 s9, s6;
	s13 =	sand.u32 $0x18000, s13;
	s12 =	smax.u32 s12, $0x1  }
0xd: {  	v3 =	vunpack.c.0.s8.s32 v3;
	v4 =	vcombine.low v1, v0;
	s31 =	sshrl.u32 s5, $0x3;
	s8 =	sadd.s32 $0x8600, s9;
	s9 =	sadd.s32 $0x600, s9  }
0xe: {  	vm0 =	vcmask $0x3F3C;
	v1 =	vand.u32 $0xF, v2;
	s10 =	sadd.s32 $0x4000, s5;
	s11 =	sadd.s32 s13, s11;
	s13 =	simm.s32 $0x4000  }
0xf: {  	v0 =	vimm.f32 $0.0e+00;
	v1 =	vcombine.low v3, v1;
	s6 =	sadd.s32 s1, s31;
	s7 =	sadd.s32 s2, s31;
	s11 =	sadd.s32 $0x10600, s11;
	v2 =	vand.u32 $0xF, v4  }
.LBB2_1:
0x10: {  	s20 =	simm.s32 $0x8140  }
0x11: {  	[tilespmem:s20+$0xFFFFFFC0] =	vst v0  }
0x12: {  	[tilespmem:s20+$0x30] =	vst v0  }
0x13: {  	[tilespmem:s20+$0x20] =	vst v0  }
0x14: {  	[tilespmem:s20+$0x10] =	vst v0  }
0x15: {  	[tilespmem:s20+$0x0] =	vst v0  }
0x16: {  	[tilespmem:s20+$0xFFFFFFF0] =	vst v0  }
0x17: {  	s21 =	simm.s32 $0x0;
	[tilespmem:s20+$0xFFFFFFE0] =	vst v0  }
.LBB2_2:
0x18: {  	s21 =	sadd.s32 $0x8, s21;
	[tilespmem:s20+$0xFFFFFFD0] =	vst v0;
	s20 =	sadd.s32 $0x80, s20  }
0x19: {  	[tilespmem:s20+$0xFFFFFFC0] =	vst v0;
	p0 =	slt.u32 s21, $0x7F8  }
0x1a: {  	[tilespmem:s20+$0x30] =	vst v0  }
.Ltmp0:
0x1b: {  	[tilespmem:s20+$0x20] =	vst v0;
	(pc) =	sbr.rel @p0 .LBB2_2-.Ltmp0, $4  }
0x1c: {  	[tilespmem:s20+$0x10] =	vst v0  }
0x1d: {  	[tilespmem:s20+$0x0] =	vst v0  }
0x1e: {  	[tilespmem:s20+$0xFFFFFFF0] =	vst v0  }
0x1f: {  	[tilespmem:s20+$0xFFFFFFE0] =	vst v0  }
0x20: {  	[tilespmem:s20+$0xFFFFFFD0] =	vst v0;
	s20 =	simm.s32 $0x0  }
0x21: {  	[tilespmem:s20], [sflag:$0x1] =	stream.linear.gather [hbm4b:s6+s20], $0x2000, $0x38;
	[tilespmem:$0x10100] =	vst v63  }
0x22: {  	_ = 	snop  }
0x23: {  	[tilespmem:s13], [sflag:$0x1] =	stream.linear.gather [hbm4b:s7+s20], $0x2000, $0x38;
	[tilespmem:$0x10100] =	vst v63  }
.LBB2_4:
0x24: {  	_ =	swait.ge [sflag:s14], $0x2000;
	s21 =	sshllo.u32 s20, $0x1  }
0x25: {  	[sflag:s14] =	ssyncset.done $0x0;
	p0 =	sgt.u32 s21, $0x32  }
0x26: {  	[sflag:s14] =	ssyncadd.s32 $0xFFFFE000;
	s21 =	sshll.u32 @!p0 s21, $0xD  }
0x27: {  	_ =	swait.ge [sflag:s14], $0x2000;
	s21 =	sadd.s32 @!p0 s5, s21  }
0x28: {  	s23 =	simm.s32 @!p0 $0x0;
	[sflag:s14] =	ssyncset.done $0x0;
	s21 =	sshrl.u32 @!p0 s21, $0x3  }
0x29: {  	s24 =	simm.s32 @!p0 $0x2000;
	[sflag:s14] =	ssyncadd.s32 $0xFFFFE000;
	s22 =	sadd.s32 @!p0 s1, s21  }
0x2a: {  	[tilespmem:s24], [sflag:$0x2] =	stream.linear.gather @!p0 [hbm4b:s22+s23], $0x2000, $0x38;
	[tilespmem:$0x10100] =	vst v63  }
0x2b: {  	s21 =	sadd.s32 @!p0 s2, s21;
	s22 =	simm.s32 @!p0 $0x6080  }
0x2c: {  	[tilespmem:s22], [sflag:$0x2] =	stream.linear.gather @!p0 [hbm4b:s21+s23], $0x2000, $0x38;
	[tilespmem:$0x10100] =	vst v63  }
0x2d: {  	p0 =	sne.s32 s20, $0x19  }
0x2e: {  	s21 =	simm.s32 @!p0 $0x0;
	s22 =	simm.s32 @!p0 $0x2000  }
0x2f: {  	[tilespmem:s22], [sflag:$0x2] =	stream.linear.gather @!p0 [hbm4b:s8+s21], $0x2000, $0x38;
	[tilespmem:$0x10100] =	vst v63  }
0x30: {  	s30 =	simm.s32 $0x4040;
	s22 =	simm.s32 @!p0 $0x6080  }
0x31: {  	[tilespmem:s22], [sflag:$0x2] =	stream.linear.gather @!p0 [hbm4b:s9+s21], $0x2000, $0x38;
	[tilespmem:$0x10100] =	vst v63  }
0x32: {  	s31 =	simm.s32 $0x40;
	v3 =	vld [tilespmem:s30+$0x21]  }
0x33: {  	v4 =	vld [tilespmem:s31+$0xFFFFFFC0]  }
0x34: {  	v5 =	vld [tilespmem:s31+$0x20]  }
0x35: {  	v6 =	vld [tilespmem:s30+$0x20]  }
0x36: {  	v7 =	vld [tilespmem:s30+$0xFFFFFFC1]  }
0x37: {  	v8 =	vld [tilespmem:s30+$0xFFFFFFC0]  }
0x38: {  	v9 =	vld [tilespmem:s31+$0x0];
	(xrf2) =	vadd.scan.msk.f32 $0xffff, v4  }
0x39: {  	v10 =	vld [tilespmem:s30+$0xFFFFFFE1];
	(xrf2) =	vadd.scan.msk.f32 $0xffff, v5  }
0x3a: {  	v11 =	vld [tilespmem:s31+$0xFFFFFFE0]  }
0x3b: {  	v12 =	vld [tilespmem:s30+$0x1]  }
0x3c: {  	v15 =	vld [tilespmem:s30+$0xFFFFFFE0];
	vm1 =	vne.s32 v8, v7  }
0x3d: {  	v7 =	vld [tilespmem:s30+$0x0];
	vm2 =	vne.s32 v6, v3;
	v3 =	vperm.xlane v8, v1;
	vm1 =	vmor vm1, vm0  }
0x3e: {  	vm2 =	vmor vm2, vm0;
	(xrf2) =	vadd.scan.msk.f32 $0xffff, v9  }
0x3f: {  	v13 =	vperm.xlane v6, v1;
	vm3 =	vne.s32 v8, v3;
	(xrf2) =	vadd.scan.msk.f32 $0xffff, v11  }
0x40: {  	s21 =	simm.s32 $0x40C0  }
0x41: {  	v16 =	vld [tilespmem:s21+$0xFFFFFFE1];
	vm5 =	vne.s32 v6, v13  }
0x42: {  	vm6 =	vne.s32 v15, v10;
	v3 =	vld [tilespmem:s21+$0xFFFFFFE0];
	vm4 =	vne.s32 v7, v12;
	v10, _, _ =	vpop (xrf2)  }
0x43: {  	v13 =	vperm.xlane v7, v1;
	vm4 =	vmor vm4, vm0;
	[tilespmem:v8+s15+$0x0] =	vst.idx.add.f32.msk vm1, v10;
	v4 =	vsub.f32 v4, v10;
	v10, _, _ =	vpop (xrf2)  }
0x44: {  	v14 =	vperm.xlane v15, v1;
	vm1 =	vmor vm6, vm0;
	[tilespmem:v6+s15+$0x0] =	vst.idx.add.f32.msk vm2, v10  }
0x45: {  	vm2 =	vne.s32 v7, v13;
	v5 =	vsub.f32 v5, v10;
	[tilespmem:v8+s15+$0x0] =	vst.idx.add.f32.msk vm3, v4  }
0x46: {  	vm3 =	vne.s32 v15, v14;
	v14 =	vld [tilespmem:s31+$0xFFFFFFD0]  }
0x47: {  	[tilespmem:v6+s15+$0x0] =	vst.idx.add.f32.msk vm5, v5  }
0x48: {  	vm3 =	vmmov vm3;
	v13 =	vld [tilespmem:s30+$0xFFFFFFD0];
	v4, _, _ =	vpop (xrf2)  }
0x49: {  	[tilespmem:v7+s15+$0x0] =	vst.idx.add.f32.msk vm4, v4;
	v4 =	vsub.f32 v9, v4;
	v5, _, _ =	vpop (xrf2)  }
0x4a: {  	[tilespmem:v15+s15+$0x0] =	vst.idx.add.f32.msk vm1, v5  }
0x4b: {  	[tilespmem:v7+s15+$0x0] =	vst.idx.add.f32.msk vm2, v4  }
0x4c: {  	v5 =	vsub.f32 v11, v5;
	v10 =	vld [tilespmem:s31+$0x10]  }
0x4d: {  	v9 =	vld [tilespmem:s30+$0x10]  }
0x4e: {  	[tilespmem:v15+s15+$0x0] =	vst.idx.add.f32.msk vm3, v5  }
0x4f: {  	(xrf2) =	vadd.scan.msk.f32 $0xffff, v14;
	v8 =	vld [tilespmem:s31+$0xFFFFFFF0]  }
0x50: {  	v7 =	vld [tilespmem:s30+$0xFFFFFFF0]  }
0x51: {  	v12 =	vld [tilespmem:s21+$0x21];
	v11 =	vperm.xlane v13, v2  }
0x52: {  	v6 =	vld [tilespmem:s21+$0x20];
	(xrf2) =	vadd.scan.msk.f32 $0xffff, v10  }
0x53: {  	v4 =	vld [tilespmem:s31+$0x30];
	v5 =	vperm.xlane v3, v1;
	vm3 =	vne.s32 v13, v11  }
0x54: {  	v18 =	vld [tilespmem:s21+$0xFFFFFFC1];
	v15 =	vperm.xlane v13, v1;
	vm6 =	vmor vm3, vm0;
	v11 =	vperm.xlane v9, v2  }
0x55: {  	s22 =	simm.s32 $0xC0;
	vm2 =	vne.s32 v3, v16;
	vm1 =	vne.s32 v3, v5;
	v5 =	vld [tilespmem:s30+$0x30];
	v19 =	vperm.xlane v7, v2;
	(xrf2) =	vadd.scan.msk.f32 $0xffff, v8  }
0x56: {  	v16 =	vld [tilespmem:s22+$0xFFFFFFC0];
	vm5 =	vne.s32 v13, v15;
	v17 =	vperm.xlane v9, v1;
	vm4 =	vne.s32 v9, v11  }
0x57: {  	vm7 =	vne.s32 v6, v12;
	v12 =	vld [tilespmem:s22+$0xFFFFFFE0];
	v20 =	vperm.xlane v7, v1;
	vm8 =	vmor vm4, vm0  }
0x58: {  	v15 =	vld [tilespmem:s22+$0x20];
	vm1 =	vmmov vm1;
	vm3 =	vne.s32 v9, v17;
	(xrf2) =	vadd.scan.msk.f32 $0xffff, v4  }
0x59: {  	s24 =	simm.s32 $0x4;
	s23 =	simm.s32 $0x40C0;
	v11 =	vld [tilespmem:s22+$0x0];
	v17 =	vperm.xlane v6, v1;
	vm4 =	vne.s32 v7, v20;
	vm9 =	vne.s32 v7, v19;
	v19, _, _ =	vpop (xrf2)  }
.LBB2_5:
0x5a: {  	s24 =	sadd.s32 $0x4, s24;
	[tilespmem:v13+s15+$0x0] =	vst.idx.add.f32.msk vm6, v19;
	v21 =	vsub.f32 v14, v19;
	vm6 =	vmor vm9, vm0;
	v19 =	vperm.xlane v5, v2  }
0x5b: {  	p0 =	slt.u32 s24, $0xFC;
	v20 =	vld [tilespmem:s21+$0xFFFFFFC0];
	(xrf2) =	vadd.scan.msk.f32 $0xffff, v16  }
0x5c: {  	[tilespmem:v13+s15+$0x0] =	vst.idx.add.f32.msk vm5, v21;
	v13 =	vperm.xlane v5, v1;
	vm5 =	vne.s32 v5, v19;
	v14, _, _ =	vpop (xrf2)  }
0x5d: {  	[tilespmem:v9+s15+$0x0] =	vst.idx.add.f32.msk vm8, v14;
	v10 =	vsub.f32 v10, v14;
	vm5 =	vmor vm5, vm0  }
0x5e: {  	v14 =	vld [tilespmem:s21+$0x1];
	(xrf2) =	vadd.scan.msk.f32 $0xffff, v15;
	vm8 =	vne.s32 v5, v13  }
0x5f: {  	[tilespmem:v9+s15+$0x0] =	vst.idx.add.f32.msk vm3, v10;
	v9, _, _ =	vpop (xrf2)  }
0x60: {  	vm3 =	vne.s32 v20, v18;
	[tilespmem:v7+s15+$0x0] =	vst.idx.add.f32.msk vm6, v9;
	v8 =	vsub.f32 v8, v9  }
0x61: {  	v9 =	vperm.xlane v20, v1;
	v10 =	vld [tilespmem:s21+$0x0];
	(xrf2) =	vadd.scan.msk.f32 $0xffff, v11  }
0x62: {  	vm3 =	vmor vm3, vm0;
	[tilespmem:v7+s15+$0x0] =	vst.idx.add.f32.msk vm4, v8;
	v7, _, _ =	vpop (xrf2)  }
0x63: {  	vm6 =	vmor vm7, vm0;
	s21 =	sadd.s32 $0x80, s21;
	vm4 =	vne.s32 v20, v9;
	[tilespmem:v5+s15+$0x0] =	vst.idx.add.f32.msk vm5, v7;
	v4 =	vsub.f32 v4, v7  }
0x64: {  	v7 =	vld [tilespmem:s21+$0xFFFFFFE1];
	(xrf2) =	vadd.scan.msk.f32 $0xffff, v12  }
0x65: {  	v8, _, _ =	vpop (xrf2);
	[tilespmem:v5+s15+$0x0] =	vst.idx.add.f32.msk vm8, v4  }
0x66: {  	vm7 =	vne.s32 v6, v17;
	v4 =	vld [tilespmem:s21+$0xFFFFFFE0];
	v9 =	vperm.xlane v10, v1;
	vm5 =	vne.s32 v10, v14  }
0x67: {  	v19 =	vld [tilespmem:s21+$0x21];
	vm5 =	vmor vm5, vm0  }
0x68: {  	[tilespmem:v20+s15+$0x0] =	vst.idx.add.f32.msk vm3, v8;
	v8 =	vsub.f32 v16, v8;
	vm3 =	vne.s32 v10, v9;
	v5, _, _ =	vpop (xrf2)  }
0x69: {  	vm8 =	vmor vm2, vm0;
	[tilespmem:v6+s15+$0x0] =	vst.idx.add.f32.msk vm6, v5;
	v5 =	vsub.f32 v15, v5  }
0x6a: {  	[tilespmem:v20+s15+$0x0] =	vst.idx.add.f32.msk vm4, v8  }
0x6b: {  	v8 =	vperm.xlane v4, v1;
	vm2 =	vne.s32 v4, v7;
	v14 =	vld [tilespmem:s22+$0xFFFFFFD0];
	v7, _, _ =	vpop (xrf2)  }
0x6c: {  	[tilespmem:v6+s15+$0x0] =	vst.idx.add.f32.msk vm7, v5  }
0x6d: {  	v5 =	vsub.f32 v11, v7;
	vm4 =	vne.s32 v4, v8;
	[tilespmem:v10+s15+$0x0] =	vst.idx.add.f32.msk vm5, v7  }
0x6e: {  	v13 =	vld [tilespmem:s23+$0xFFFFFFD0];
	v6, _, _ =	vpop (xrf2)  }
0x6f: {  	[tilespmem:v3+s15+$0x0] =	vst.idx.add.f32.msk vm8, v6;
	v6 =	vsub.f32 v12, v6  }
0x70: {  	[tilespmem:v10+s15+$0x0] =	vst.idx.add.f32.msk vm3, v5  }
0x71: {  	v10 =	vld [tilespmem:s22+$0x10]  }
0x72: {  	[tilespmem:v3+s15+$0x0] =	vst.idx.add.f32.msk vm1, v6;
	v3 =	vmov v4;
	vm1 =	vmmov vm4  }
0x73: {  	v9 =	vld [tilespmem:s23+$0x10];
	(xrf2) =	vadd.scan.msk.f32 $0xffff, v14  }
0x74: {  	v5 =	vperm.xlane v13, v2;
	v6 =	vperm.xlane v13, v1;
	v8 =	vld [tilespmem:s22+$0xFFFFFFF0]  }
0x75: {  	v4 =	vld [tilespmem:s22+$0x30]  }
0x76: {  	vm5 =	vne.s32 v13, v6;
	vm3 =	vne.s32 v13, v5;
	v7 =	vld [tilespmem:s23+$0xFFFFFFF0];
	(xrf2) =	vadd.scan.msk.f32 $0xffff, v10  }
0x77: {  	v6 =	vld [tilespmem:s21+$0x20]  }
0x78: {  	vm6 =	vmor vm3, vm0;
	v18 =	vld [tilespmem:s21+$0xFFFFFFC1];
	v11 =	vperm.xlane v9, v2;
	v12 =	vperm.xlane v9, v1  }
.Ltmp1:
0x79: {  	s22 =	sadd.s32 $0x80, s22;
	v5 =	vld [tilespmem:s23+$0x30];
	(xrf2) =	vadd.scan.msk.f32 $0xffff, v8;
	s23 =	smov.u32 s21;
	(pc) =	sbr.rel @p0 .LBB2_5-.Ltmp1, $4  }
0x7a: {  	v16 =	vld [tilespmem:s22+$0xFFFFFFC0];
	vm3 =	vne.s32 v9, v12;
	vm4 =	vne.s32 v9, v11  }
0x7b: {  	v15 =	vld [tilespmem:s22+$0x20];
	v20 =	vperm.xlane v7, v2;
	v21 =	vperm.xlane v7, v1;
	vm8 =	vmor vm4, vm0  }
0x7c: {  	v11 =	vld [tilespmem:s22+$0x0];
	v17 =	vperm.xlane v6, v1;
	vm7 =	vne.s32 v6, v19;
	(xrf2) =	vadd.scan.msk.f32 $0xffff, v4  }
0x7d: {  	v12 =	vld [tilespmem:s22+$0xFFFFFFE0];
	vm4 =	vne.s32 v7, v21;
	vm9 =	vne.s32 v7, v20;
	v19, _, _ =	vpop (xrf2)  }
0x7e: {  	v20 =	vld [tilespmem:s21+$0xFFFFFFC0]  }
0x7f: {  	(xrf2) =	vadd.scan.msk.f32 $0xffff, v16  }
0x80: {  	(xrf2) =	vadd.scan.msk.f32 $0xffff, v15;
	_ =	sdelay $0x2  }
0x81: {  	v21 =	vld [tilespmem:s21+$0x1];
	vm10 =	vne.s32 v20, v18  }
0x82: {  	(xrf2) =	vadd.scan.msk.f32 $0xffff, v11;
	v18 =	vld [tilespmem:s21+$0x0];
	v22 =	vperm.xlane v20, v1;
	vm10 =	vmor vm10, vm0  }
0x83: {  	vm7 =	vmor vm7, vm0  }
0x84: {  	v14 =	vsub.f32 v14, v19;
	v23, _, _ =	vpop (xrf2);
	(xrf2) =	vadd.scan.msk.f32 $0xffff, v12;
	vm11 =	vne.s32 v20, v22  }
0x85: {  	[tilespmem:v13+s15+$0x0] =	vst.idx.add.f32.msk vm6, v19;
	v63, _, _ =	vpop (xrf2)  }
0x86: {  	vm6 =	vne.s32 v6, v17;
	[tilespmem:v13+s15+$0x0] =	vst.idx.add.f32.msk vm5, v14;
	v19, _, _ =	vpop (xrf2)  }
0x87: {  	[tilespmem:v9+s15+$0x0] =	vst.idx.add.f32.msk vm8, v23;
	vm5 =	vne.s32 v18, v21;
	v13, _, _ =	vpop (xrf2)  }
0x88: {  	v14 =	vperm.xlane v18, v1;
	vm5 =	vmor vm5, vm0;
	[tilespmem:v20+s15+$0x0] =	vst.idx.add.f32.msk vm10, v13;
	v13 =	vsub.f32 v16, v13;
	v16, _, _ =	vpop (xrf2)  }
0x89: {  	vm2 =	vmor vm2, vm0;
	[tilespmem:v6+s15+$0x0] =	vst.idx.add.f32.msk vm7, v16  }
0x8a: {  	v15 =	vsub.f32 v15, v16;
	vm7 =	vne.s32 v18, v14;
	[tilespmem:v20+s15+$0x0] =	vst.idx.add.f32.msk vm11, v13  }
0x8b: {  	v13 =	vld [tilespmem:s22+$0xFFFFFFD0]  }
0x8c: {  	v14, _, _ =	vpop (xrf2);
	[tilespmem:v6+s15+$0x0] =	vst.idx.add.f32.msk vm6, v15  }
0x8d: {  	v6 =	vsub.f32 v11, v14;
	v11 =	vld [tilespmem:s23+$0xFFFFFFD0]  }
0x8e: {  	[tilespmem:v18+s15+$0x0] =	vst.idx.add.f32.msk vm5, v14;
	v14, _, _ =	vpop (xrf2)  }
0x8f: {  	[tilespmem:v3+s15+$0x0] =	vst.idx.add.f32.msk vm2, v14  }
0x90: {  	v12 =	vsub.f32 v12, v14;
	[tilespmem:v18+s15+$0x0] =	vst.idx.add.f32.msk vm7, v6  }
0x91: {  	v6 =	vld [tilespmem:s22+$0x10]  }
0x92: {  	[tilespmem:v3+s15+$0x0] =	vst.idx.add.f32.msk vm1, v12  }
0x93: {  	vm1 =	vmor vm9, vm0;
	v3 =	vperm.xlane v5, v2;
	v14 =	vld [tilespmem:s23+$0x10]  }
0x94: {  	v12 =	vld [tilespmem:s22+$0xFFFFFFF0]  }
0x95: {  	(xrf2) =	vadd.scan.msk.f32 $0xffff, v13;
	v16 =	vld [tilespmem:s23+$0xFFFFFFF0];
	vm2 =	vne.s32 v5, v3;
	v3 =	vsub.f32 v10, v23  }
0x96: {  	v15 =	vperm.xlane v5, v1;
	v10 =	vld [tilespmem:s22+$0x30]  }
0x97: {  	vm2 =	vmor vm2, vm0;
	[tilespmem:v9+s15+$0x0] =	vst.idx.add.f32.msk vm3, v3;
	v3 =	vperm.xlane v11, v2;
	(xrf2) =	vadd.scan.msk.f32 $0xffff, v6  }
0x98: {  	vm3 =	vne.s32 v5, v15;
	v15 =	vld [tilespmem:s23+$0x30]  }
0x99: {  	(xrf2) =	vadd.scan.msk.f32 $0xffff, v12;
	[tilespmem:v7+s15+$0x0] =	vst.idx.add.f32.msk vm1, v63;
	vm1 =	vne.s32 v11, v3;
	v3 =	vperm.xlane v14, v2  }
0x9a: {  	v8 =	vsub.f32 v8, v63;
	v4 =	vsub.f32 v4, v19;
	v9 =	vperm.xlane v11, v1  }
0x9b: {  	vm1 =	vmor vm1, vm0;
	(xrf2) =	vadd.scan.msk.f32 $0xffff, v10;
	vm5 =	vne.s32 v14, v3;
	v3 =	vperm.xlane v16, v2  }
0x9c: {  	[tilespmem:v7+s15+$0x0] =	vst.idx.add.f32.msk vm4, v8;
	vm4 =	vne.s32 v11, v9;
	v7 =	vperm.xlane v14, v1  }
0x9d: {  	[tilespmem:v5+s15+$0x0] =	vst.idx.add.f32.msk vm2, v19;
	vm2 =	vmor vm5, vm0;
	vm6 =	vne.s32 v16, v3;
	v3 =	vperm.xlane v15, v2  }
0x9e: {  	v8 =	vperm.xlane v16, v1;
	vm5 =	vne.s32 v14, v7  }
0x9f: {  	v7 =	vperm.xlane v15, v1;
	[tilespmem:v5+s15+$0x0] =	vst.idx.add.f32.msk vm3, v4;
	v4, _, _ =	vpop (xrf2);
	vm6 =	vmor vm6, vm0  }
0xa0: {  	vm3 =	vne.s32 v16, v8;
	v5 =	vsub.f32 v13, v4;
	vm7 =	vne.s32 v15, v3  }
0xa1: {  	[tilespmem:v11+s15+$0x0] =	vst.idx.add.f32.msk vm1, v4;
	vm1 =	vmor vm7, vm0;
	v3, _, _ =	vpop (xrf2)  }
0xa2: {  	[tilespmem:v11+s15+$0x0] =	vst.idx.add.f32.msk vm4, v5;
	vm4 =	vne.s32 v15, v7;
	v4 =	vsub.f32 v6, v3  }
0xa3: {  	[tilespmem:v14+s15+$0x0] =	vst.idx.add.f32.msk vm2, v3;
	v3, _, _ =	vpop (xrf2)  }
0xa4: {  	[tilespmem:v14+s15+$0x0] =	vst.idx.add.f32.msk vm5, v4;
	v4 =	vsub.f32 v12, v3  }
0xa5: {  	[tilespmem:v16+s15+$0x0] =	vst.idx.add.f32.msk vm6, v3;
	v3, _, _ =	vpop (xrf2)  }
0xa6: {  	[tilespmem:v16+s15+$0x0] =	vst.idx.add.f32.msk vm3, v4;
	v4 =	vsub.f32 v10, v3  }
0xa7: {  	[tilespmem:v15+s15+$0x0] =	vst.idx.add.f32.msk vm1, v3  }
0xa8: {  	[tilespmem:v15+s15+$0x0] =	vst.idx.add.f32.msk vm4, v4  }
0xa9: {  	_ =	swait.ge [sflag:s16], $0x2000  }
0xaa: {  	p0 =	seq.s32 s20, $0x19;
	[sflag:s16] =	ssyncset.done $0x0  }
0xab: {  	s21 =	sshll.u32 @!p0 s20, $0xE;
	[sflag:s16] =	ssyncadd.s32 $0xFFFFE000  }
0xac: {  	s21 =	sadd.s32 @!p0 s21, s10;
	_ =	swait.ge [sflag:s16], $0x2000  }
0xad: {  	s21 =	sshrl.u32 @!p0 s21, $0x3;
	[sflag:s16] =	ssyncset.done $0x0  }
0xae: {  	s22 =	sadd.s32 @!p0 s1, s21;
	s23 =	simm.s32 @!p0 $0x0;
	[sflag:s16] =	ssyncadd.s32 $0xFFFFE000  }
0xaf: {  	[tilespmem:s23], [sflag:$0x1] =	stream.linear.gather @!p0 [hbm4b:s22+s23], $0x2000, $0x38;
	[tilespmem:$0x10100] =	vst v63  }
0xb0: {  	s30 =	simm.s32 $0x60C0;
	s21 =	sadd.s32 @!p0 s2, s21;
	s22 =	simm.s32 @!p0 $0x4000  }
0xb1: {  	[tilespmem:s22], [sflag:$0x1] =	stream.linear.gather @!p0 [hbm4b:s21+s23], $0x2000, $0x38;
	[tilespmem:$0x10100] =	vst v63  }
0xb2: {  	s31 =	simm.s32 $0x2040;
	v3 =	vld [tilespmem:s30+$0x21]  }
0xb3: {  	v4 =	vld [tilespmem:s31+$0xFFFFFFC0]  }
0xb4: {  	v5 =	vld [tilespmem:s31+$0x20]  }
0xb5: {  	v6 =	vld [tilespmem:s30+$0x20]  }
0xb6: {  	v7 =	vld [tilespmem:s30+$0xFFFFFFC1]  }
0xb7: {  	v8 =	vld [tilespmem:s30+$0xFFFFFFC0]  }
0xb8: {  	v9 =	vld [tilespmem:s31+$0x0];
	(xrf2) =	vadd.scan.msk.f32 $0xffff, v4  }
0xb9: {  	v10 =	vld [tilespmem:s30+$0xFFFFFFE1];
	(xrf2) =	vadd.scan.msk.f32 $0xffff, v5  }
0xba: {  	v11 =	vld [tilespmem:s31+$0xFFFFFFE0]  }
0xbb: {  	v12 =	vld [tilespmem:s30+$0x1]  }
0xbc: {  	v15 =	vld [tilespmem:s30+$0xFFFFFFE0];
	vm1 =	vne.s32 v8, v7  }
0xbd: {  	v7 =	vld [tilespmem:s30+$0x0];
	vm2 =	vne.s32 v6, v3;
	v3 =	vperm.xlane v8, v1;
	vm1 =	vmor vm1, vm0  }
0xbe: {  	vm2 =	vmor vm2, vm0;
	(xrf2) =	vadd.scan.msk.f32 $0xffff, v9  }
0xbf: {  	v13 =	vperm.xlane v6, v1;
	vm3 =	vne.s32 v8, v3;
	(xrf2) =	vadd.scan.msk.f32 $0xffff, v11  }
0xc0: {  	s21 =	simm.s32 $0x6140  }
0xc1: {  	v16 =	vld [tilespmem:s21+$0xFFFFFFE1];
	vm5 =	vne.s32 v6, v13  }
0xc2: {  	vm6 =	vne.s32 v15, v10;
	v3 =	vld [tilespmem:s21+$0xFFFFFFE0];
	vm4 =	vne.s32 v7, v12;
	v10, _, _ =	vpop (xrf2)  }
0xc3: {  	v13 =	vperm.xlane v7, v1;
	vm4 =	vmor vm4, vm0;
	[tilespmem:v8+s15+$0x0] =	vst.idx.add.f32.msk vm1, v10;
	v4 =	vsub.f32 v4, v10;
	v10, _, _ =	vpop (xrf2)  }
0xc4: {  	v14 =	vperm.xlane v15, v1;
	vm1 =	vmor vm6, vm0;
	[tilespmem:v6+s15+$0x0] =	vst.idx.add.f32.msk vm2, v10  }
0xc5: {  	vm2 =	vne.s32 v7, v13;
	v5 =	vsub.f32 v5, v10;
	[tilespmem:v8+s15+$0x0] =	vst.idx.add.f32.msk vm3, v4  }
0xc6: {  	vm3 =	vne.s32 v15, v14;
	v14 =	vld [tilespmem:s31+$0xFFFFFFD0]  }
0xc7: {  	[tilespmem:v6+s15+$0x0] =	vst.idx.add.f32.msk vm5, v5  }
0xc8: {  	vm3 =	vmmov vm3;
	v13 =	vld [tilespmem:s30+$0xFFFFFFD0];
	v4, _, _ =	vpop (xrf2)  }
0xc9: {  	[tilespmem:v7+s15+$0x0] =	vst.idx.add.f32.msk vm4, v4;
	v4 =	vsub.f32 v9, v4;
	v5, _, _ =	vpop (xrf2)  }
0xca: {  	[tilespmem:v15+s15+$0x0] =	vst.idx.add.f32.msk vm1, v5  }
0xcb: {  	[tilespmem:v7+s15+$0x0] =	vst.idx.add.f32.msk vm2, v4  }
0xcc: {  	v5 =	vsub.f32 v11, v5;
	v10 =	vld [tilespmem:s31+$0x10]  }
0xcd: {  	v9 =	vld [tilespmem:s30+$0x10]  }
0xce: {  	[tilespmem:v15+s15+$0x0] =	vst.idx.add.f32.msk vm3, v5  }
0xcf: {  	(xrf2) =	vadd.scan.msk.f32 $0xffff, v14;
	v8 =	vld [tilespmem:s31+$0xFFFFFFF0]  }
0xd0: {  	v7 =	vld [tilespmem:s30+$0xFFFFFFF0]  }
0xd1: {  	v12 =	vld [tilespmem:s21+$0x21];
	v11 =	vperm.xlane v13, v2  }
0xd2: {  	v6 =	vld [tilespmem:s21+$0x20];
	(xrf2) =	vadd.scan.msk.f32 $0xffff, v10  }
0xd3: {  	v4 =	vld [tilespmem:s31+$0x30];
	v5 =	vperm.xlane v3, v1;
	vm3 =	vne.s32 v13, v11  }
0xd4: {  	v18 =	vld [tilespmem:s21+$0xFFFFFFC1];
	v15 =	vperm.xlane v13, v1;
	vm6 =	vmor vm3, vm0;
	v11 =	vperm.xlane v9, v2  }
0xd5: {  	s22 =	simm.s32 $0x20C0;
	vm2 =	vne.s32 v3, v16;
	vm1 =	vne.s32 v3, v5;
	v5 =	vld [tilespmem:s30+$0x30];
	v19 =	vperm.xlane v7, v2;
	(xrf2) =	vadd.scan.msk.f32 $0xffff, v8  }
0xd6: {  	v16 =	vld [tilespmem:s22+$0xFFFFFFC0];
	vm5 =	vne.s32 v13, v15;
	v17 =	vperm.xlane v9, v1;
	vm4 =	vne.s32 v9, v11  }
0xd7: {  	vm7 =	vne.s32 v6, v12;
	v12 =	vld [tilespmem:s22+$0xFFFFFFE0];
	v20 =	vperm.xlane v7, v1;
	vm8 =	vmor vm4, vm0  }
0xd8: {  	v15 =	vld [tilespmem:s22+$0x20];
	vm1 =	vmmov vm1;
	vm3 =	vne.s32 v9, v17;
	(xrf2) =	vadd.scan.msk.f32 $0xffff, v4  }
0xd9: {  	s24 =	simm.s32 $0x4;
	s23 =	simm.s32 $0x6140;
	v11 =	vld [tilespmem:s22+$0x0];
	v17 =	vperm.xlane v6, v1;
	vm4 =	vne.s32 v7, v20;
	vm9 =	vne.s32 v7, v19;
	v19, _, _ =	vpop (xrf2)  }
.LBB2_7:
0xda: {  	s24 =	sadd.s32 $0x4, s24;
	[tilespmem:v13+s15+$0x0] =	vst.idx.add.f32.msk vm6, v19;
	v21 =	vsub.f32 v14, v19;
	vm6 =	vmor vm9, vm0;
	v19 =	vperm.xlane v5, v2  }
0xdb: {  	p0 =	slt.u32 s24, $0xFC;
	v20 =	vld [tilespmem:s21+$0xFFFFFFC0];
	(xrf2) =	vadd.scan.msk.f32 $0xffff, v16  }
0xdc: {  	[tilespmem:v13+s15+$0x0] =	vst.idx.add.f32.msk vm5, v21;
	v13 =	vperm.xlane v5, v1;
	vm5 =	vne.s32 v5, v19;
	v14, _, _ =	vpop (xrf2)  }
0xdd: {  	[tilespmem:v9+s15+$0x0] =	vst.idx.add.f32.msk vm8, v14;
	v10 =	vsub.f32 v10, v14;
	vm5 =	vmor vm5, vm0  }
0xde: {  	v14 =	vld [tilespmem:s21+$0x1];
	(xrf2) =	vadd.scan.msk.f32 $0xffff, v15;
	vm8 =	vne.s32 v5, v13  }
0xdf: {  	[tilespmem:v9+s15+$0x0] =	vst.idx.add.f32.msk vm3, v10;
	v9, _, _ =	vpop (xrf2)  }
0xe0: {  	vm3 =	vne.s32 v20, v18;
	[tilespmem:v7+s15+$0x0] =	vst.idx.add.f32.msk vm6, v9;
	v8 =	vsub.f32 v8, v9  }
0xe1: {  	v9 =	vperm.xlane v20, v1;
	v10 =	vld [tilespmem:s21+$0x0];
	(xrf2) =	vadd.scan.msk.f32 $0xffff, v11  }
0xe2: {  	vm3 =	vmor vm3, vm0;
	[tilespmem:v7+s15+$0x0] =	vst.idx.add.f32.msk vm4, v8;
	v7, _, _ =	vpop (xrf2)  }
0xe3: {  	vm6 =	vmor vm7, vm0;
	s21 =	sadd.s32 $0x80, s21;
	vm4 =	vne.s32 v20, v9;
	[tilespmem:v5+s15+$0x0] =	vst.idx.add.f32.msk vm5, v7;
	v4 =	vsub.f32 v4, v7  }
0xe4: {  	v7 =	vld [tilespmem:s21+$0xFFFFFFE1];
	(xrf2) =	vadd.scan.msk.f32 $0xffff, v12  }
0xe5: {  	v8, _, _ =	vpop (xrf2);
	[tilespmem:v5+s15+$0x0] =	vst.idx.add.f32.msk vm8, v4  }
0xe6: {  	vm7 =	vne.s32 v6, v17;
	v4 =	vld [tilespmem:s21+$0xFFFFFFE0];
	v9 =	vperm.xlane v10, v1;
	vm5 =	vne.s32 v10, v14  }
0xe7: {  	v19 =	vld [tilespmem:s21+$0x21];
	vm5 =	vmor vm5, vm0  }
0xe8: {  	[tilespmem:v20+s15+$0x0] =	vst.idx.add.f32.msk vm3, v8;
	v8 =	vsub.f32 v16, v8;
	vm3 =	vne.s32 v10, v9;
	v5, _, _ =	vpop (xrf2)  }
0xe9: {  	vm8 =	vmor vm2, vm0;
	[tilespmem:v6+s15+$0x0] =	vst.idx.add.f32.msk vm6, v5;
	v5 =	vsub.f32 v15, v5  }
0xea: {  	[tilespmem:v20+s15+$0x0] =	vst.idx.add.f32.msk vm4, v8  }
0xeb: {  	v8 =	vperm.xlane v4, v1;
	vm2 =	vne.s32 v4, v7;
	v14 =	vld [tilespmem:s22+$0xFFFFFFD0];
	v7, _, _ =	vpop (xrf2)  }
0xec: {  	[tilespmem:v6+s15+$0x0] =	vst.idx.add.f32.msk vm7, v5  }
0xed: {  	v5 =	vsub.f32 v11, v7;
	vm4 =	vne.s32 v4, v8;
	[tilespmem:v10+s15+$0x0] =	vst.idx.add.f32.msk vm5, v7  }
0xee: {  	v13 =	vld [tilespmem:s23+$0xFFFFFFD0];
	v6, _, _ =	vpop (xrf2)  }
0xef: {  	[tilespmem:v3+s15+$0x0] =	vst.idx.add.f32.msk vm8, v6;
	v6 =	vsub.f32 v12, v6  }
0xf0: {  	[tilespmem:v10+s15+$0x0] =	vst.idx.add.f32.msk vm3, v5  }
0xf1: {  	v10 =	vld [tilespmem:s22+$0x10]  }
0xf2: {  	[tilespmem:v3+s15+$0x0] =	vst.idx.add.f32.msk vm1, v6;
	v3 =	vmov v4;
	vm1 =	vmmov vm4  }
0xf3: {  	v9 =	vld [tilespmem:s23+$0x10];
	(xrf2) =	vadd.scan.msk.f32 $0xffff, v14  }
0xf4: {  	v5 =	vperm.xlane v13, v2;
	v6 =	vperm.xlane v13, v1;
	v8 =	vld [tilespmem:s22+$0xFFFFFFF0]  }
0xf5: {  	v4 =	vld [tilespmem:s22+$0x30]  }
0xf6: {  	vm5 =	vne.s32 v13, v6;
	vm3 =	vne.s32 v13, v5;
	v7 =	vld [tilespmem:s23+$0xFFFFFFF0];
	(xrf2) =	vadd.scan.msk.f32 $0xffff, v10  }
0xf7: {  	v6 =	vld [tilespmem:s21+$0x20]  }
0xf8: {  	vm6 =	vmor vm3, vm0;
	v18 =	vld [tilespmem:s21+$0xFFFFFFC1];
	v11 =	vperm.xlane v9, v2;
	v12 =	vperm.xlane v9, v1  }
.Ltmp2:
0xf9: {  	s22 =	sadd.s32 $0x80, s22;
	v5 =	vld [tilespmem:s23+$0x30];
	(xrf2) =	vadd.scan.msk.f32 $0xffff, v8;
	s23 =	smov.u32 s21;
	(pc) =	sbr.rel @p0 .LBB2_7-.Ltmp2, $4  }
0xfa: {  	v16 =	vld [tilespmem:s22+$0xFFFFFFC0];
	vm3 =	vne.s32 v9, v12;
	vm4 =	vne.s32 v9, v11  }
0xfb: {  	v15 =	vld [tilespmem:s22+$0x20];
	v20 =	vperm.xlane v7, v2;
	v21 =	vperm.xlane v7, v1;
	vm8 =	vmor vm4, vm0  }
0xfc: {  	v11 =	vld [tilespmem:s22+$0x0];
	v17 =	vperm.xlane v6, v1;
	vm7 =	vne.s32 v6, v19;
	(xrf2) =	vadd.scan.msk.f32 $0xffff, v4  }
0xfd: {  	v12 =	vld [tilespmem:s22+$0xFFFFFFE0];
	vm4 =	vne.s32 v7, v21;
	vm9 =	vne.s32 v7, v20;
	v19, _, _ =	vpop (xrf2)  }
0xfe: {  	v20 =	vld [tilespmem:s21+$0xFFFFFFC0]  }
0xff: {  	(xrf2) =	vadd.scan.msk.f32 $0xffff, v16  }
0x100: {  	v21 =	vld [tilespmem:s21+$0x1];
	(xrf2) =	vadd.scan.msk.f32 $0xffff, v15  }
0x101: {  	v38 =	vld [tilespmem:s21+$0x0]  }
0x102: {  	(xrf2) =	vadd.scan.msk.f32 $0xffff, v11  }
0x103: {  	vm10 =	vne.s32 v20, v18  }
0x104: {  	v22 =	vperm.xlane v20, v1;
	vm10 =	vmor vm10, vm0  }
0x105: {  	vm7 =	vmor vm7, vm0;
	v14 =	vsub.f32 v14, v19  }
0x106: {  	[tilespmem:v13+s15+$0x0] =	vst.idx.add.f32.msk vm6, v19;
	v23, _, _ =	vpop (xrf2);
	(xrf2) =	vadd.scan.msk.f32 $0xffff, v12;
	vm13 =	vne.s32 v38, v21;
	vm11 =	vne.s32 v20, v22  }
0x107: {  	[tilespmem:v13+s15+$0x0] =	vst.idx.add.f32.msk vm5, v14;
	v39, _, _ =	vpop (xrf2);
	vm5 =	vmor vm13, vm0  }
0x108: {  	v40, _, _ =	vpop (xrf2)  }
0x109: {  	vm14 =	vne.s32 v6, v17;
	[tilespmem:v9+s15+$0x0] =	vst.idx.add.f32.msk vm8, v23;
	v41, _, _ =	vpop (xrf2)  }
0x10a: {  	v42 =	vperm.xlane v38, v1;
	[tilespmem:v20+s15+$0x0] =	vst.idx.add.f32.msk vm10, v41;
	v13 =	vsub.f32 v16, v41;
	v43, _, _ =	vpop (xrf2)  }
0x10b: {  	vm2 =	vmor vm2, vm0;
	[tilespmem:v6+s15+$0x0] =	vst.idx.add.f32.msk vm7, v43  }
0x10c: {  	vm15 =	vne.s32 v38, v42;
	v45, _, _ =	vpop (xrf2);
	[tilespmem:v20+s15+$0x0] =	vst.idx.add.f32.msk vm11, v13  }
0x10d: {  	v44 =	vsub.f32 v15, v43;
	[tilespmem:v38+s15+$0x0] =	vst.idx.add.f32.msk vm5, v45  }
0x10e: {  	v13 =	vld [tilespmem:s22+$0xFFFFFFD0]  }
0x10f: {  	[tilespmem:v6+s15+$0x0] =	vst.idx.add.f32.msk vm14, v44  }
0x110: {  	v46 =	vsub.f32 v11, v45;
	v48, _, _ =	vpop (xrf2);
	v47 =	vld [tilespmem:s23+$0xFFFFFFD0]  }
0x111: {  	[tilespmem:v3+s15+$0x0] =	vst.idx.add.f32.msk vm2, v48  }
0x112: {  	v49 =	vsub.f32 v12, v48;
	[tilespmem:v38+s15+$0x0] =	vst.idx.add.f32.msk vm15, v46  }
0x113: {  	v6 =	vld [tilespmem:s22+$0x10]  }
0x114: {  	[tilespmem:v3+s15+$0x0] =	vst.idx.add.f32.msk vm1, v49  }
0x115: {  	vm1 =	vmor vm9, vm0;
	v3 =	vperm.xlane v5, v2;
	v50 =	vld [tilespmem:s23+$0x10]  }
0x116: {  	v12 =	vld [tilespmem:s22+$0xFFFFFFF0]  }
0x117: {  	v51 =	vld [tilespmem:s22+$0x30];
	vm2 =	vne.s32 v5, v3;
	v3 =	vsub.f32 v10, v23;
	(xrf2) =	vadd.scan.msk.f32 $0xffff, v13  }
0x118: {  	v52 =	vperm.xlane v5, v1;
	v53 =	vld [tilespmem:s23+$0xFFFFFFF0]  }
0x119: {  	vm2 =	vmor vm2, vm0;
	[tilespmem:v9+s15+$0x0] =	vst.idx.add.f32.msk vm3, v3;
	v3 =	vperm.xlane v47, v2  }
0x11a: {  	v55 =	vld [tilespmem:s23+$0x30];
	vm3 =	vne.s32 v5, v52;
	(xrf2) =	vadd.scan.msk.f32 $0xffff, v6  }
0x11b: {  	(xrf2) =	vadd.scan.msk.f32 $0xffff, v12;
	[tilespmem:v7+s15+$0x0] =	vst.idx.add.f32.msk vm1, v39;
	vm1 =	vne.s32 v47, v3;
	v3 =	vperm.xlane v50, v2  }
0x11c: {  	v54 =	vperm.xlane v47, v1  }
0x11d: {  	vm1 =	vmor vm1, vm0;
	(xrf2) =	vadd.scan.msk.f32 $0xffff, v51;
	vm11 =	vne.s32 v50, v3;
	v3 =	vperm.xlane v53, v2  }
0x11e: {  	v8 =	vsub.f32 v8, v39;
	v4 =	vsub.f32 v4, v40;
	vm10 =	vne.s32 v47, v54  }
0x11f: {  	v56 =	vperm.xlane v50, v1;
	[tilespmem:v5+s15+$0x0] =	vst.idx.add.f32.msk vm2, v40;
	vm2 =	vmor vm11, vm0;
	vm13 =	vne.s32 v53, v3  }
0x120: {  	v57 =	vperm.xlane v53, v1;
	[tilespmem:v7+s15+$0x0] =	vst.idx.add.f32.msk vm4, v8;
	v3 =	vperm.xlane v55, v2;
	vm6 =	vmor vm13, vm0  }
0x121: {  	v60 =	vperm.xlane v55, v1;
	vm12 =	vne.s32 v50, v56;
	[tilespmem:v5+s15+$0x0] =	vst.idx.add.f32.msk vm3, v4;
	v58, _, _ =	vpop (xrf2)  }
0x122: {  	vm3 =	vne.s32 v53, v57;
	vm14 =	vne.s32 v55, v3;
	v59 =	vsub.f32 v13, v58  }
0x123: {  	[tilespmem:v47+s15+$0x0] =	vst.idx.add.f32.msk vm1, v58;
	vm1 =	vmor vm14, vm0  }
0x124: {  	s20 =	sadd.s32 $0x1, s20;
	vm15 =	vne.s32 v55, v60;
	v3, _, _ =	vpop (xrf2);
	[tilespmem:v47+s15+$0x0] =	vst.idx.add.f32.msk vm10, v59  }
0x125: {  	p0 =	sne.s32 s20, $0x1A;
	v61 =	vsub.f32 v6, v3;
	[tilespmem:v50+s15+$0x0] =	vst.idx.add.f32.msk vm2, v3;
	v3, _, _ =	vpop (xrf2)  }
.Ltmp3:
0x126: {  	v62 =	vsub.f32 v12, v3;
	[tilespmem:v53+s15+$0x0] =	vst.idx.add.f32.msk vm6, v3;
	(pc) =	sbr.rel @p0 .LBB2_4-.Ltmp3, $4  }
0x127: {  	v3, _, _ =	vpop (xrf2);
	[tilespmem:v50+s15+$0x0] =	vst.idx.add.f32.msk vm12, v61  }
0x128: {  	v63 =	vsub.f32 v51, v3;
	[tilespmem:v53+s15+$0x0] =	vst.idx.add.f32.msk vm3, v62  }
0x129: {  	[tilespmem:v55+s15+$0x0] =	vst.idx.add.f32.msk vm1, v3  }
0x12a: {  	[tilespmem:v55+s15+$0x0] =	vst.idx.add.f32.msk vm15, v63  }
0x12b: {  	s4 =	sadd.s32 $0x1, s4  }
0x12c: {  	p0 =	sne.s32 s4, s12  }
.Ltmp4:
0x12d: {  	_ = 	snop;
	(pc) =	sbr.rel @p0 .LBB2_1-.Ltmp4, $4  }
0x12e: {  	[hbm4b:s11+s17] =	stream.strided.scatter [tilespmem:s15], [sflag:$0x3], $0x8000, s18, s17, $0x38;
	[tilespmem:$0x10100] =	vst v63  }
0x12f: {  	_ =	swait.ge [sflag:s19], $0x8000  }
0x130: {  	[sflag:s19] =	ssyncset.done $0x0  }
0x131: {  	[sflag:s19] =	ssyncadd.s32 $0xFFFF8000  }
0x132: {  	_ =	sfence.sel $0x180000  }
0x133: {  	[bflag:$0x0] =	sbarrier.arrive $0xFFFF  }
0x134: {  	p0 =	sne.s32 s3, $0x0;
	_ =	strace $0x90000047  }
0x135: {  	s0 =	sadd.s32 @!p0 $0x100000, s0;
	[bflag:$0x2] =	sbarrier.arrive $0xFFFF  }
0x136: {  	[sflag:s0] =	ssyncadd.tile.s32 @!p0 $0x1;
	_ =	shalt  }
.Lfunc_end2:
_tile_overlayer_lowered:
.L_overlay_start_2:
0x137: {  	(tag) =	ssettag $0x2  }
0x138: {  	s0 =	rddreg [dreg:$0x0];
	s2 =	stileid.u32  }
0x139: {  	s1 =	rddreg [dreg:$0x1];
	p0 =	sne.s32 s2, $0x0  }
0x13a: {  	s3 =	rddreg [dreg:$0x2];
	[bflag:$0x3] =	sbarrier.arrive $0xFFFF;
	s2 =	simm.s32 @!p0 $0x1C03  }
0x13b: {  	[timem:s3], [sflag:s2] =	dma.local @!p0 [hbm:s0], s1  }
0x13c: {  	s0 =	simm.s32 @!p0 $0x3  }
0x13d: {  	_ =	swait.ge @!p0 [sflag:s0], s1  }
0x13e: {  	s1 =	ssub.s32 @!p0 $0x0, s1;
	[sflag:s0] =	ssyncset.done @!p0 $0x0  }
0x13f: {  	[sflag:s0] =	ssyncadd.s32 @!p0 s1  }
0x140: {  	[bflag:$0x3] =	sbarrier.arrive $0xFFFF  }
0x141: {  	_ =	shalt  }

</sc_bundles>
